<compile_context>
chip_gen: v7x
topology: tpu7x:2x2x1
jax: 0.10.2.dev20260603
libtpu: 0.0.44.dev20260713+nightly
codegen_flags: <defaults>
</compile_context>

<pallas_src>
import functools

import jax
import jax.numpy as jnp
from jax import lax
from jax.experimental import pallas as pl
from jax.experimental.pallas import tpu as pltpu
from jax.experimental.pallas import tpu_sc as plsc

N = 50000
E = 1600000
G = 16
NPAD = 51200
RB = NPAD // 128
EPAD = 1638400
ROWS = EPAD // 128
ROWS_PER_TILE = ROWS // 32
CHUNKS = ROWS_PER_TILE // 16
USIZE = 852992

_mesh = plsc.VectorSubcoreMesh(
    core_axis_name="c", subcore_axis_name="s", num_cores=2, num_subcores=16)


def _sc_deg_body(dst_hbm, zn_hbm, out_hbm, dstb, ones, deg_sh):
    cid = lax.axis_index("c")
    sid = lax.axis_index("s")
    wid = cid * 16 + sid

    @pl.when(sid == 0)
    def _():
        pltpu.sync_copy(zn_hbm, deg_sh)

    for i in range(8):
        ones[pl.ds(i * 16, 16)] = jnp.full((16,), 1.0, jnp.float32)
    plsc.subcore_barrier()

    base = wid * ROWS_PER_TILE

    def chunk(c, carry):
        pltpu.sync_copy(dst_hbm.at[pl.ds(base + c * 16, 16)], dstb)

        def inner(j, carry2):
            pltpu.sync_copy(ones, deg_sh.at[dstb.at[j]], add=True)
            return carry2

        return lax.fori_loop(0, 16, inner, carry)

    lax.fori_loop(0, CHUNKS, chunk, 0)
    plsc.subcore_barrier()

    @pl.when(sid == 1)
    def _():
        pltpu.sync_copy(deg_sh, out_hbm.at[pl.ds(cid * NPAD, NPAD)])


_sc_deg = functools.partial(
    pl.kernel,
    out_type=jax.ShapeDtypeStruct((2 * NPAD,), jnp.float32),
    mesh=_mesh,
    scratch_types=[
        pltpu.VMEM((16, 128), jnp.int32),
        pltpu.VMEM((128,), jnp.float32),
        pltpu.VMEM_SHARED((NPAD,), jnp.float32),
    ],
)(_sc_deg_body)


def _tc_prep_body(degp_ref, xt_ref, bp_ref, yt_ref, dis_ref, didx_ref):
    deg = degp_ref[0] + degp_ref[1] + 1.0
    r = (lax.broadcasted_iota(jnp.int32, (RB, 128), 0) * 128
         + lax.broadcasted_iota(jnp.int32, (RB, 128), 1))
    dis = jnp.where(r < N, lax.rsqrt(deg), 0.0)
    dis_ref[...] = dis
    didx_ref[...] = bp_ref[...] * N
    yt_ref[...] = xt_ref[...] * dis[None]


_tc_prep = pl.pallas_call(
    _tc_prep_body,
    out_shape=[
        jax.ShapeDtypeStruct((3, RB, 128), jnp.float32),
        jax.ShapeDtypeStruct((RB, 128), jnp.float32),
        jax.ShapeDtypeStruct((RB, 128), jnp.int32),
    ],
)


def _sc_main_body(src_hbm, dst_hbm, y0_hbm, y1_hbm, y2_hbm, dis_hbm, didx_hbm,
                  zn_hbm, zu_hbm, t_out, u_out,
                  srcb, dstb, y0b, y1b, y2b, dvalbuf, didxbuf, uidx,
                  s0, s1, s2, s3, s4,
                  t0_sh, t1_sh, t2_sh, u_sh, y0_sh, y1_sh, y2_sh,
                  dis_sh, didx_sh):
    cid = lax.axis_index("c")
    sid = lax.axis_index("s")
    wid = cid * 16 + sid

    for k, (src_arr, dst_arr) in enumerate([
            (y0_hbm, y0_sh), (y1_hbm, y1_sh), (y2_hbm, y2_sh),
            (dis_hbm, dis_sh), (didx_hbm, didx_sh),
            (zn_hbm, t0_sh), (zn_hbm, t1_sh), (zn_hbm, t2_sh),
            (zu_hbm, u_sh)]):
        @pl.when(sid == k)
        def _(src_arr=src_arr, dst_arr=dst_arr):
            pltpu.sync_copy(src_arr, dst_arr)

    plsc.subcore_barrier()

    base = wid * ROWS_PER_TILE

    def chunk(c, carry):
        pltpu.sync_copy(src_hbm.at[pl.ds(base + c * 16, 16)], srcb)
        pltpu.sync_copy(dst_hbm.at[pl.ds(base + c * 16, 16)], dstb)

        def inner(j, carry2):
            sj = srcb.at[j]
            dj = dstb.at[j]
            cy0 = pltpu.async_copy(y0_sh.at[sj], y0b, s0)
            cy1 = pltpu.async_copy(y1_sh.at[sj], y1b, s1)
            cy2 = pltpu.async_copy(y2_sh.at[sj], y2b, s2)
            cdv = pltpu.async_copy(dis_sh.at[dj], dvalbuf, s3)
            cdi = pltpu.async_copy(didx_sh.at[dj], didxbuf, s4)
            cy0.wait()
            pltpu.sync_copy(y0b, t0_sh.at[dj], add=True)
            cy1.wait()
            pltpu.sync_copy(y1b, t1_sh.at[dj], add=True)
            cy2.wait()
            pltpu.sync_copy(y2b, t2_sh.at[dj], add=True)
            cdi.wait()
            for k in range(8):
                sl = pl.ds(k * 16, 16)
                uidx[0, sl] = didxbuf[sl] + srcb[j, sl]
            cdv.wait()
            pltpu.sync_copy(dvalbuf, u_sh.at[uidx.at[0]], add=True)
            return carry2

        return lax.fori_loop(0, 16, inner, carry)

    lax.fori_loop(0, CHUNKS, chunk, 0)
    plsc.subcore_barrier()

    for k, plane in enumerate([t0_sh, t1_sh, t2_sh]):
        @pl.when(sid == 9 + k)
        def _(plane=plane, k=k):
            pltpu.sync_copy(plane,
                            t_out.at[pl.ds(cid * 3 * NPAD + k * NPAD, NPAD)])

    @pl.when(sid == 12)
    def _():
        pltpu.sync_copy(u_sh, u_out.at[pl.ds(cid * USIZE, USIZE)])


_sc_main = functools.partial(
    pl.kernel,
    out_type=(
        jax.ShapeDtypeStruct((2 * 3 * NPAD,), jnp.float32),
        jax.ShapeDtypeStruct((2 * USIZE,), jnp.float32),
    ),
    mesh=_mesh,
    scratch_types=[
        pltpu.VMEM((16, 128), jnp.int32),
        pltpu.VMEM((16, 128), jnp.int32),
        pltpu.VMEM((128,), jnp.float32),
        pltpu.VMEM((128,), jnp.float32),
        pltpu.VMEM((128,), jnp.float32),
        pltpu.VMEM((128,), jnp.float32),
        pltpu.VMEM((128,), jnp.int32),
        pltpu.VMEM((1, 128), jnp.int32),
        pltpu.SemaphoreType.DMA,
        pltpu.SemaphoreType.DMA,
        pltpu.SemaphoreType.DMA,
        pltpu.SemaphoreType.DMA,
        pltpu.SemaphoreType.DMA,
        pltpu.VMEM_SHARED((NPAD,), jnp.float32),
        pltpu.VMEM_SHARED((NPAD,), jnp.float32),
        pltpu.VMEM_SHARED((NPAD,), jnp.float32),
        pltpu.VMEM_SHARED((USIZE,), jnp.float32),
        pltpu.VMEM_SHARED((NPAD,), jnp.float32),
        pltpu.VMEM_SHARED((NPAD,), jnp.float32),
        pltpu.VMEM_SHARED((NPAD,), jnp.float32),
        pltpu.VMEM_SHARED((NPAD,), jnp.float32),
        pltpu.VMEM_SHARED((NPAD,), jnp.int32),
    ],
)(_sc_main_body)


NB = 6400
NBLK = NPAD // NB


def _tc_finish_body(tp_ref, yc_ref, disr_ref, up_ref, b2d_ref,
                    w1t_ref, b1_ref, w2_ref, b2_ref, wfc_ref, bfc_ref, q_ref,
                    pooled_acc, counts_acc):
    i = pl.program_id(0)
    disr = disr_ref[...]
    t_tot = tp_ref[0] + tp_ref[1] + yc_ref[...]
    agg1 = t_tot * disr
    h1t = jnp.maximum(
        jnp.dot(w1t_ref[...], agg1, preferred_element_type=jnp.float32)
        + b1_ref[...], 0.0)
    gi = lax.broadcasted_iota(jnp.int32, (G, NB), 0)
    m = (b2d_ref[...] == gi).astype(jnp.float32)
    u = up_ref[0] + up_ref[1]
    w = disr * (u + disr * m)
    pooled = lax.dot_general(w, h1t, (((1,), (1,)), ((), ())),
                             preferred_element_type=jnp.float32)
    counts = jnp.sum(m, axis=1, keepdims=True)

    @pl.when(i == 0)
    def _():
        pooled_acc[...] = jnp.zeros_like(pooled_acc)
        counts_acc[...] = jnp.zeros_like(counts_acc)

    pooled_acc[...] += pooled
    counts_acc[...] += counts

    @pl.when(i == NBLK - 1)
    def _():
        ge = pooled_acc[...] / jnp.maximum(counts_acc[...], 1.0)
        wc = jnp.dot(w2_ref[...], wfc_ref[...],
                     preferred_element_type=jnp.float32)
        bc = jnp.dot(b2_ref[...], wfc_ref[...],
                     preferred_element_type=jnp.float32) + bfc_ref[...]
        q_ref[...] = jnp.dot(ge, wc, preferred_element_type=jnp.float32) + bc


_tc_finish = pl.pallas_call(
    _tc_finish_body,
    grid=(NBLK,),
    in_specs=[
        pl.BlockSpec((2, 3, NB), lambda i: (0, 0, i)),
        pl.BlockSpec((3, NB), lambda i: (0, i)),
        pl.BlockSpec((1, NB), lambda i: (0, i)),
        pl.BlockSpec((2, G, NB), lambda i: (0, 0, i)),
        pl.BlockSpec((1, NB), lambda i: (0, i)),
        pl.BlockSpec((32, 3), lambda i: (0, 0)),
        pl.BlockSpec((32, 1), lambda i: (0, 0)),
        pl.BlockSpec((32, 32), lambda i: (0, 0)),
        pl.BlockSpec((1, 32), lambda i: (0, 0)),
        pl.BlockSpec((32, 256), lambda i: (0, 0)),
        pl.BlockSpec((1, 256), lambda i: (0, 0)),
    ],
    out_specs=pl.BlockSpec((G, 256), lambda i: (0, 0)),
    out_shape=jax.ShapeDtypeStruct((G, 256), jnp.float32),
    scratch_shapes=[
        pltpu.VMEM((G, 32), jnp.float32),
        pltpu.VMEM((G, 1), jnp.float32),
    ],
)


def kernel(x, edge_index, batch, W1, b1, W2, b2, Wfc, bfc):
    src = edge_index[0].astype(jnp.int32)
    dst = edge_index[1].astype(jnp.int32)
    b32 = batch.astype(jnp.int32)
    padv = jnp.full((EPAD - E,), N, jnp.int32)
    src_p = jnp.concatenate([src, padv]).reshape(ROWS, 128)
    dst_p = jnp.concatenate([dst, padv]).reshape(ROWS, 128)

    deg_flat = _sc_deg(dst_p, jnp.zeros((NPAD,), jnp.float32))

    xt = jnp.pad(x, ((0, NPAD - N), (0, 0))).T.reshape(3, RB, 128)
    batch_p = jnp.pad(b32, (0, NPAD - N), constant_values=G)
    yt, dis2, didx2 = _tc_prep(deg_flat.reshape(2, RB, 128), xt,
                               batch_p.reshape(RB, 128))
    yf = yt.reshape(3, NPAD)
    dis = dis2.reshape(NPAD)
    didx = didx2.reshape(NPAD)

    t_part, u_part = _sc_main(
        src_p, dst_p, yf[0], yf[1], yf[2],
        dis, didx,
        jnp.zeros((NPAD,), jnp.float32),
        jnp.zeros((USIZE,), jnp.float32))

    up = u_part.reshape(2, USIZE)[:, :G * N].reshape(2, G, N)
    up = jnp.pad(up, ((0, 0), (0, 0), (0, NPAD - N)))
    q = _tc_finish(
        t_part.reshape(2, 3, NPAD), yf, dis.reshape(1, NPAD), up,
        batch_p.reshape(1, NPAD), W1.T, b1.reshape(32, 1),
        W2, b2.reshape(1, 32), Wfc, bfc.reshape(1, 256))
    return q

# --- scband reference (transcript-rebuilt; emitter-appended) ---
"""Pipeline reference for scband-graph-sage-dqn-88424786690660 (READ-ONLY COPY).

The authoritative reference and input builder live on the scoring server;
editing this copy changes nothing except your own understanding.
"""

import jax, jax.numpy as jnp
import numpy as np

NUM_NODES = 50000
NUM_EDGES = 1600000
NUM_GRAPHS = 16
EMB = 32
IN_FEAT = 3
ACTIONS = 256


def setup_inputs(seed: int = 0) -> dict:
    key = jax.random.key(seed)
    ks = jax.random.split(key, 10)
    x = jax.random.normal(ks[0], (NUM_NODES, IN_FEAT), dtype=jnp.float32)
    edge_index = jax.random.randint(ks[1], (2, NUM_EDGES), 0, NUM_NODES, dtype=jnp.int64)
    batch = jnp.sort(jax.random.randint(ks[2], (NUM_NODES,), 0, NUM_GRAPHS, dtype=jnp.int64))
    # GCNConv parameters (glorot-ish init) and fc layer
    W1 = jax.random.normal(ks[3], (IN_FEAT, EMB), dtype=jnp.float32) * (1.0 / np.sqrt(IN_FEAT))
    b1 = jnp.zeros((EMB,), dtype=jnp.float32)
    W2 = jax.random.normal(ks[4], (EMB, EMB), dtype=jnp.float32) * (1.0 / np.sqrt(EMB))
    b2 = jnp.zeros((EMB,), dtype=jnp.float32)
    Wfc = jax.random.normal(ks[5], (EMB, ACTIONS), dtype=jnp.float32) * (1.0 / np.sqrt(EMB))
    bfc = jnp.zeros((ACTIONS,), dtype=jnp.float32)
    return {"x": x, "edge_index": edge_index, "batch": batch,
            "W1": W1, "b1": b1, "W2": W2, "b2": b2, "Wfc": Wfc, "bfc": bfc}


def gcn_conv(x, edge_index, W, b):
    n = x.shape[0]
    loop = jnp.arange(n, dtype=edge_index.dtype)
    src = jnp.concatenate([edge_index[0], loop])
    dst = jnp.concatenate([edge_index[1], loop])
    deg = jnp.zeros((n,), dtype=jnp.float32).at[dst].add(1.0)
    dis = jnp.where(deg > 0, 1.0 / jnp.sqrt(deg), 0.0)
    norm = dis[src] * dis[dst]
    xw = x @ W
    msgs = jnp.take(xw, src, axis=0) * norm[:, None]
    out = jnp.zeros((n, W.shape[1]), dtype=jnp.float32).at[dst].add(msgs)
    return out + b


def reference(x, edge_index, batch, W1, b1, W2, b2, Wfc, bfc):
    h1 = jax.nn.relu(gcn_conv(x, edge_index, W1, b1))
    h2 = gcn_conv(h1, edge_index, W2, b2)
    # global_mean_pool over graph ids in `batch`
    seg_sum = jax.ops.segment_sum(h2, batch, num_segments=NUM_GRAPHS)
    counts = jnp.zeros((NUM_GRAPHS,), dtype=jnp.float32).at[batch].add(1.0)
    graph_embed = seg_sum / jnp.maximum(counts, 1.0)[:, None]
    q_values = graph_embed @ Wfc + bfc
    return q_values

if __name__ == "__main__":
    import jax
    _d = setup_inputs()
    print(jax.jit(kernel)(*tuple(_d.values())))

</pallas_src>

<mosaic_0001>
#map = affine_map<(d0, d1) -> (0, 0)>
#map1 = affine_map<(d0, d1) -> (0)>
module attributes {stable_mosaic.version = 14 : i64} {
  func.func @_sc_main_body(%arg0: i32, %arg1: i32, %arg2: memref<12800x128xi32, #tpu.memory_space<hbm>>, %arg3: memref<12800x128xi32, #tpu.memory_space<hbm>>, %arg4: memref<51200xf32, #tpu.memory_space<hbm>>, %arg5: memref<51200xf32, #tpu.memory_space<hbm>>, %arg6: memref<51200xf32, #tpu.memory_space<hbm>>, %arg7: memref<51200xf32, #tpu.memory_space<hbm>>, %arg8: memref<51200xi32, #tpu.memory_space<hbm>>, %arg9: memref<51200xf32, #tpu.memory_space<hbm>>, %arg10: memref<852992xf32, #tpu.memory_space<hbm>>, %arg11: memref<307200xf32, #tpu.memory_space<hbm>>, %arg12: memref<1705984xf32, #tpu.memory_space<hbm>>, %arg13: memref<16x128xi32, #tpu.memory_space<vmem>>, %arg14: memref<16x128xi32, #tpu.memory_space<vmem>>, %arg15: memref<128xf32, #tpu.memory_space<vmem>>, %arg16: memref<128xf32, #tpu.memory_space<vmem>>, %arg17: memref<128xf32, #tpu.memory_space<vmem>>, %arg18: memref<128xf32, #tpu.memory_space<vmem>>, %arg19: memref<128xi32, #tpu.memory_space<vmem>>, %arg20: memref<1x128xi32, #tpu.memory_space<vmem>>, %arg21: memref<!tpu.dma_semaphore, #tpu.memory_space<semaphore_mem>>, %arg22: memref<!tpu.dma_semaphore, #tpu.memory_space<semaphore_mem>>, %arg23: memref<!tpu.dma_semaphore, #tpu.memory_space<semaphore_mem>>, %arg24: memref<!tpu.dma_semaphore, #tpu.memory_space<semaphore_mem>>, %arg25: memref<!tpu.dma_semaphore, #tpu.memory_space<semaphore_mem>>, %arg26: memref<51200xf32, #tpu.memory_space<vmem_shared>>, %arg27: memref<51200xf32, #tpu.memory_space<vmem_shared>>, %arg28: memref<51200xf32, #tpu.memory_space<vmem_shared>>, %arg29: memref<852992xf32, #tpu.memory_space<vmem_shared>>, %arg30: memref<51200xf32, #tpu.memory_space<vmem_shared>>, %arg31: memref<51200xf32, #tpu.memory_space<vmem_shared>>, %arg32: memref<51200xf32, #tpu.memory_space<vmem_shared>>, %arg33: memref<51200xf32, #tpu.memory_space<vmem_shared>>, %arg34: memref<51200xi32, #tpu.memory_space<vmem_shared>>) attributes {dimension_semantics = [#tpu.dimension_semantics<core_parallel>, #tpu.dimension_semantics<subcore_parallel>], iteration_bounds = array<i64: 2, 16>, scalar_prefetch = 0 : i64, scratch_operands = 22 : i64, tpu.core_type = #tpu.core_type<sc_vector_subcore>, window_params = [{transform_indices = #map}, {transform_indices = #map}, {transform_indices = #map1}, {transform_indices = #map1}, {transform_indices = #map1}, {transform_indices = #map1}, {transform_indices = #map1}, {transform_indices = #map1}, {transform_indices = #map1}, {transform_indices = #map1}, {transform_indices = #map1}]} {
    %mul3A = arith.constant 16 : i32
    %mul3A_0 = arith.muli %arg0, %mul3A : i32
    %add3A = arith.addi %mul3A_0, %arg1 : i32
    %eq3A = arith.constant 0 : i32
    %eq3A_1 = arith.cmpi eq, %arg1, %eq3A : i32
    %convert_element_type3A = arith.extui %eq3A_1 : i1 to i32
    %cond3A = arith.constant 0 : i32
    %cond3A_2 = arith.cmpi ne, %convert_element_type3A, %cond3A : i32
    scf.if %cond3A_2 {
      "tpu.region"() ({
        %run_scoped3A = tpu.sem_alloc : memref<!tpu.dma_semaphore, #tpu.memory_space<semaphore_mem>>
        tpu.enqueue_dma source(%arg4 : memref<51200xf32, #tpu.memory_space<hbm>>) target(%arg30 : memref<51200xf32, #tpu.memory_space<vmem_shared>>) target_semaphore(%run_scoped3A : memref<!tpu.dma_semaphore, #tpu.memory_space<semaphore_mem>>)
        tpu.wait_dma2 semaphore(%run_scoped3A : memref<!tpu.dma_semaphore, #tpu.memory_space<semaphore_mem>>) src(%arg4 : memref<51200xf32, #tpu.memory_space<hbm>>) dst(%arg30 : memref<51200xf32, #tpu.memory_space<vmem_shared>>)
        tpu.yield
      }) : () -> ()
    } else {
    }
    %eq3A_3 = arith.constant 1 : i32
    %eq3A_4 = arith.cmpi eq, %arg1, %eq3A_3 : i32
    %convert_element_type3A_5 = arith.extui %eq3A_4 : i1 to i32
    %cond3A_6 = arith.constant 0 : i32
    %cond3A_7 = arith.cmpi ne, %convert_element_type3A_5, %cond3A_6 : i32
    scf.if %cond3A_7 {
      "tpu.region"() ({
        %run_scoped3A = tpu.sem_alloc : memref<!tpu.dma_semaphore, #tpu.memory_space<semaphore_mem>>
        tpu.enqueue_dma source(%arg5 : memref<51200xf32, #tpu.memory_space<hbm>>) target(%arg31 : memref<51200xf32, #tpu.memory_space<vmem_shared>>) target_semaphore(%run_scoped3A : memref<!tpu.dma_semaphore, #tpu.memory_space<semaphore_mem>>)
        tpu.wait_dma2 semaphore(%run_scoped3A : memref<!tpu.dma_semaphore, #tpu.memory_space<semaphore_mem>>) src(%arg5 : memref<51200xf32, #tpu.memory_space<hbm>>) dst(%arg31 : memref<51200xf32, #tpu.memory_space<vmem_shared>>)
        tpu.yield
      }) : () -> ()
    } else {
    }
    %eq3A_8 = arith.constant 2 : i32
    %eq3A_9 = arith.cmpi eq, %arg1, %eq3A_8 : i32
    %convert_element_type3A_10 = arith.extui %eq3A_9 : i1 to i32
    %cond3A_11 = arith.constant 0 : i32
    %cond3A_12 = arith.cmpi ne, %convert_element_type3A_10, %cond3A_11 : i32
    scf.if %cond3A_12 {
      "tpu.region"() ({
        %run_scoped3A = tpu.sem_alloc : memref<!tpu.dma_semaphore, #tpu.memory_space<semaphore_mem>>
        tpu.enqueue_dma source(%arg6 : memref<51200xf32, #tpu.memory_space<hbm>>) target(%arg32 : memref<51200xf32, #tpu.memory_space<vmem_shared>>) target_semaphore(%run_scoped3A : memref<!tpu.dma_semaphore, #tpu.memory_space<semaphore_mem>>)
        tpu.wait_dma2 semaphore(%run_scoped3A : memref<!tpu.dma_semaphore, #tpu.memory_space<semaphore_mem>>) src(%arg6 : memref<51200xf32, #tpu.memory_space<hbm>>) dst(%arg32 : memref<51200xf32, #tpu.memory_space<vmem_shared>>)
        tpu.yield
      }) : () -> ()
    } else {
    }
    %eq3A_13 = arith.constant 3 : i32
    %eq3A_14 = arith.cmpi eq, %arg1, %eq3A_13 : i32
    %convert_element_type3A_15 = arith.extui %eq3A_14 : i1 to i32
    %cond3A_16 = arith.constant 0 : i32
    %cond3A_17 = arith.cmpi ne, %convert_element_type3A_15, %cond3A_16 : i32
    scf.if %cond3A_17 {
      "tpu.region"() ({
        %run_scoped3A = tpu.sem_alloc : memref<!tpu.dma_semaphore, #tpu.memory_space<semaphore_mem>>
        tpu.enqueue_dma source(%arg7 : memref<51200xf32, #tpu.memory_space<hbm>>) target(%arg33 : memref<51200xf32, #tpu.memory_space<vmem_shared>>) target_semaphore(%run_scoped3A : memref<!tpu.dma_semaphore, #tpu.memory_space<semaphore_mem>>)
        tpu.wait_dma2 semaphore(%run_scoped3A : memref<!tpu.dma_semaphore, #tpu.memory_space<semaphore_mem>>) src(%arg7 : memref<51200xf32, #tpu.memory_space<hbm>>) dst(%arg33 : memref<51200xf32, #tpu.memory_space<vmem_shared>>)
        tpu.yield
      }) : () -> ()
    } else {
    }
    %eq3A_18 = arith.constant 4 : i32
    %eq3A_19 = arith.cmpi eq, %arg1, %eq3A_18 : i32
    %convert_element_type3A_20 = arith.extui %eq3A_19 : i1 to i32
    %cond3A_21 = arith.constant 0 : i32
    %cond3A_22 = arith.cmpi ne, %convert_element_type3A_20, %cond3A_21 : i32
    scf.if %cond3A_22 {
      "tpu.region"() ({
        %run_scoped3A = tpu.sem_alloc : memref<!tpu.dma_semaphore, #tpu.memory_space<semaphore_mem>>
        tpu.enqueue_dma source(%arg8 : memref<51200xi32, #tpu.memory_space<hbm>>) target(%arg34 : memref<51200xi32, #tpu.memory_space<vmem_shared>>) target_semaphore(%run_scoped3A : memref<!tpu.dma_semaphore, #tpu.memory_space<semaphore_mem>>)
        tpu.wait_dma2 semaphore(%run_scoped3A : memref<!tpu.dma_semaphore, #tpu.memory_space<semaphore_mem>>) src(%arg8 : memref<51200xi32, #tpu.memory_space<hbm>>) dst(%arg34 : memref<51200xi32, #tpu.memory_space<vmem_shared>>)
        tpu.yield
      }) : () -> ()
    } else {
    }
    %eq3A_23 = arith.constant 5 : i32
    %eq3A_24 = arith.cmpi eq, %arg1, %eq3A_23 : i32
    %convert_element_type3A_25 = arith.extui %eq3A_24 : i1 to i32
    %cond3A_26 = arith.constant 0 : i32
    %cond3A_27 = arith.cmpi ne, %convert_element_type3A_25, %cond3A_26 : i32
    scf.if %cond3A_27 {
      "tpu.region"() ({
        %run_scoped3A = tpu.sem_alloc : memref<!tpu.dma_semaphore, #tpu.memory_space<semaphore_mem>>
        tpu.enqueue_dma source(%arg9 : memref<51200xf32, #tpu.memory_space<hbm>>) target(%arg26 : memref<51200xf32, #tpu.memory_space<vmem_shared>>) target_semaphore(%run_scoped3A : memref<!tpu.dma_semaphore, #tpu.memory_space<semaphore_mem>>)
        tpu.wait_dma2 semaphore(%run_scoped3A : memref<!tpu.dma_semaphore, #tpu.memory_space<semaphore_mem>>) src(%arg9 : memref<51200xf32, #tpu.memory_space<hbm>>) dst(%arg26 : memref<51200xf32, #tpu.memory_space<vmem_shared>>)
        tpu.yield
      }) : () -> ()
    } else {
    }
    %eq3A_28 = arith.constant 6 : i32
    %eq3A_29 = arith.cmpi eq, %arg1, %eq3A_28 : i32
    %convert_element_type3A_30 = arith.extui %eq3A_29 : i1 to i32
    %cond3A_31 = arith.constant 0 : i32
    %cond3A_32 = arith.cmpi ne, %convert_element_type3A_30, %cond3A_31 : i32
    scf.if %cond3A_32 {
      "tpu.region"() ({
        %run_scoped3A = tpu.sem_alloc : memref<!tpu.dma_semaphore, #tpu.memory_space<semaphore_mem>>
        tpu.enqueue_dma source(%arg9 : memref<51200xf32, #tpu.memory_space<hbm>>) target(%arg27 : memref<51200xf32, #tpu.memory_space<vmem_shared>>) target_semaphore(%run_scoped3A : memref<!tpu.dma_semaphore, #tpu.memory_space<semaphore_mem>>)
        tpu.wait_dma2 semaphore(%run_scoped3A : memref<!tpu.dma_semaphore, #tpu.memory_space<semaphore_mem>>) src(%arg9 : memref<51200xf32, #tpu.memory_space<hbm>>) dst(%arg27 : memref<51200xf32, #tpu.memory_space<vmem_shared>>)
        tpu.yield
      }) : () -> ()
    } else {
    }
    %eq3A_33 = arith.constant 7 : i32
    %eq3A_34 = arith.cmpi eq, %arg1, %eq3A_33 : i32
    %convert_element_type3A_35 = arith.extui %eq3A_34 : i1 to i32
    %cond3A_36 = arith.constant 0 : i32
    %cond3A_37 = arith.cmpi ne, %convert_element_type3A_35, %cond3A_36 : i32
    scf.if %cond3A_37 {
      "tpu.region"() ({
        %run_scoped3A = tpu.sem_alloc : memref<!tpu.dma_semaphore, #tpu.memory_space<semaphore_mem>>
        tpu.enqueue_dma source(%arg9 : memref<51200xf32, #tpu.memory_space<hbm>>) target(%arg28 : memref<51200xf32, #tpu.memory_space<vmem_shared>>) target_semaphore(%run_scoped3A : memref<!tpu.dma_semaphore, #tpu.memory_space<semaphore_mem>>)
        tpu.wait_dma2 semaphore(%run_scoped3A : memref<!tpu.dma_semaphore, #tpu.memory_space<semaphore_mem>>) src(%arg9 : memref<51200xf32, #tpu.memory_space<hbm>>) dst(%arg28 : memref<51200xf32, #tpu.memory_space<vmem_shared>>)
        tpu.yield
      }) : () -> ()
    } else {
    }
    %eq3A_38 = arith.constant 8 : i32
    %eq3A_39 = arith.cmpi eq, %arg1, %eq3A_38 : i32
    %convert_element_type3A_40 = arith.extui %eq3A_39 : i1 to i32
    %cond3A_41 = arith.constant 0 : i32
    %cond3A_42 = arith.cmpi ne, %convert_element_type3A_40, %cond3A_41 : i32
    scf.if %cond3A_42 {
      "tpu.region"() ({
        %run_scoped3A = tpu.sem_alloc : memref<!tpu.dma_semaphore, #tpu.memory_space<semaphore_mem>>
        tpu.enqueue_dma source(%arg10 : memref<852992xf32, #tpu.memory_space<hbm>>) target(%arg29 : memref<852992xf32, #tpu.memory_space<vmem_shared>>) target_semaphore(%run_scoped3A : memref<!tpu.dma_semaphore, #tpu.memory_space<semaphore_mem>>)
        tpu.wait_dma2 semaphore(%run_scoped3A : memref<!tpu.dma_semaphore, #tpu.memory_space<semaphore_mem>>) src(%arg10 : memref<852992xf32, #tpu.memory_space<hbm>>) dst(%arg29 : memref<852992xf32, #tpu.memory_space<vmem_shared>>)
        tpu.yield
      }) : () -> ()
    } else {
    }
    %barrier3A = arith.constant 0 : index
    tpu.barrier barrier_id(%barrier3A)
    %mul3A_43 = arith.constant 400 : i32
    %mul3A_44 = arith.muli %add3A, %mul3A_43 : i32
    %scan3A = arith.constant 0 : i32
    %scan3A_45 = arith.constant 0 : i32
    %scan3A_46 = arith.constant 25 : i32
    %scan3A_47 = arith.addi %scan3A_45, %scan3A_46 : i32
    %scan3A_48 = arith.constant 1 : i32
    scf.for %scan3A_71 = %scan3A_45 to %scan3A_47 step %scan3A_48  : i32 {
      %mul3A_72 = arith.constant 16 : i32
      %mul3A_73 = arith.muli %scan3A_71, %mul3A_72 : i32
      %add3A_74 = arith.addi %mul3A_44, %mul3A_73 : i32
      "tpu.region"() ({
        %run_scoped3A = tpu.sem_alloc : memref<!tpu.dma_semaphore, #tpu.memory_space<semaphore_mem>>
        %dma_start3A = arith.constant 0 : i32
        %dma_start3A_83 = tpu.memref_slice %arg2[%add3A_74, %dma_start3A] : memref<12800x128xi32, #tpu.memory_space<hbm>> -> memref<16x128xi32, #tpu.memory_space<hbm>>
        %dma_start3A_84 = arith.constant 0 : i32
        %dma_start3A_85 = tpu.memref_slice %arg2[%add3A_74, %dma_start3A_84] : memref<12800x128xi32, #tpu.memory_space<hbm>> -> memref<16x128xi32, #tpu.memory_space<hbm>>
        tpu.enqueue_dma source(%dma_start3A_85 : memref<16x128xi32, #tpu.memory_space<hbm>>) target(%arg13 : memref<16x128xi32, #tpu.memory_space<vmem>>) target_semaphore(%run_scoped3A : memref<!tpu.dma_semaphore, #tpu.memory_space<semaphore_mem>>)
        %dma_wait3A = arith.constant 0 : i32
        %dma_wait3A_86 = tpu.memref_slice %arg2[%add3A_74, %dma_wait3A] : memref<12800x128xi32, #tpu.memory_space<hbm>> -> memref<16x128xi32, #tpu.memory_space<hbm>>
        %dma_wait3A_87 = arith.constant 0 : i32
        %dma_wait3A_88 = tpu.memref_slice %arg2[%add3A_74, %dma_wait3A_87] : memref<12800x128xi32, #tpu.memory_space<hbm>> -> memref<16x128xi32, #tpu.memory_space<hbm>>
        tpu.wait_dma2 semaphore(%run_scoped3A : memref<!tpu.dma_semaphore, #tpu.memory_space<semaphore_mem>>) src(%dma_wait3A_88 : memref<16x128xi32, #tpu.memory_space<hbm>>) dst(%arg13 : memref<16x128xi32, #tpu.memory_space<vmem>>)
        tpu.yield
      }) : () -> ()
      %mul3A_75 = arith.constant 16 : i32
      %mul3A_76 = arith.muli %scan3A_71, %mul3A_75 : i32
      %add3A_77 = arith.addi %mul3A_44, %mul3A_76 : i32
      "tpu.region"() ({
        %run_scoped3A = tpu.sem_alloc : memref<!tpu.dma_semaphore, #tpu.memory_space<semaphore_mem>>
        %dma_start3A = arith.constant 0 : i32
        %dma_start3A_83 = tpu.memref_slice %arg3[%add3A_77, %dma_start3A] : memref<12800x128xi32, #tpu.memory_space<hbm>> -> memref<16x128xi32, #tpu.memory_space<hbm>>
        %dma_start3A_84 = arith.constant 0 : i32
        %dma_start3A_85 = tpu.memref_slice %arg3[%add3A_77, %dma_start3A_84] : memref<12800x128xi32, #tpu.memory_space<hbm>> -> memref<16x128xi32, #tpu.memory_space<hbm>>
        tpu.enqueue_dma source(%dma_start3A_85 : memref<16x128xi32, #tpu.memory_space<hbm>>) target(%arg14 : memref<16x128xi32, #tpu.memory_space<vmem>>) target_semaphore(%run_scoped3A : memref<!tpu.dma_semaphore, #tpu.memory_space<semaphore_mem>>)
        %dma_wait3A = arith.constant 0 : i32
        %dma_wait3A_86 = tpu.memref_slice %arg3[%add3A_77, %dma_wait3A] : memref<12800x128xi32, #tpu.memory_space<hbm>> -> memref<16x128xi32, #tpu.memory_space<hbm>>
        %dma_wait3A_87 = arith.constant 0 : i32
        %dma_wait3A_88 = tpu.memref_slice %arg3[%add3A_77, %dma_wait3A_87] : memref<12800x128xi32, #tpu.memory_space<hbm>> -> memref<16x128xi32, #tpu.memory_space<hbm>>
        tpu.wait_dma2 semaphore(%run_scoped3A : memref<!tpu.dma_semaphore, #tpu.memory_space<semaphore_mem>>) src(%dma_wait3A_88 : memref<16x128xi32, #tpu.memory_space<hbm>>) dst(%arg14 : memref<16x128xi32, #tpu.memory_space<vmem>>)
        tpu.yield
      }) : () -> ()
      %scan3A_78 = arith.constant 0 : i32
      %scan3A_79 = arith.constant 16 : i32
      %scan3A_80 = arith.addi %scan3A_78, %scan3A_79 : i32
      %scan3A_81 = arith.constant 1 : i32
      scf.for %scan3A_83 = %scan3A_78 to %scan3A_80 step %scan3A_81  : i32 {
        %dma_start3A = arith.constant 0 : i32
        %dma_start3A_84 = tpu.memref_slice %arg13[%scan3A_83, %dma_start3A] : memref<16x128xi32, #tpu.memory_space<vmem>> -> memref<1x128xi32, #tpu.memory_space<vmem>>
        %dma_start3A_85 = tpu.memref_squeeze %dma_start3A_84 : memref<1x128xi32, #tpu.memory_space<vmem>> -> memref<128xi32, #tpu.memory_space<vmem>>
        %dma_start3A_86 = arith.constant 0 : i32
        %dma_start3A_87 = tpu.memref_slice %arg30[%dma_start3A_86] : memref<51200xf32, #tpu.memory_space<vmem_shared>> -> memref<51200xf32, #tpu.memory_space<vmem_shared>>
        tpu.enqueue_indirect_dma source(%dma_start3A_87 : memref<51200xf32, #tpu.memory_space<vmem_shared>>) target(%arg15 : memref<128xf32, #tpu.memory_space<vmem>>) offsets(%dma_start3A_85 : memref<128xi32, #tpu.memory_space<vmem>>) semaphore(%arg21 : memref<!tpu.dma_semaphore, #tpu.memory_space<semaphore_mem>>)
        %dma_start3A_88 = arith.constant 0 : i32
        %dma_start3A_89 = tpu.memref_slice %arg13[%scan3A_83, %dma_start3A_88] : memref<16x128xi32, #tpu.memory_space<vmem>> -> memref<1x128xi32, #tpu.memory_space<vmem>>
        %dma_start3A_90 = tpu.memref_squeeze %dma_start3A_89 : memref<1x128xi32, #tpu.memory_space<vmem>> -> memref<128xi32, #tpu.memory_space<vmem>>
        %dma_start3A_91 = arith.constant 0 : i32
        %dma_start3A_92 = tpu.memref_slice %arg31[%dma_start3A_91] : memref<51200xf32, #tpu.memory_space<vmem_shared>> -> memref<51200xf32, #tpu.memory_space<vmem_shared>>
        tpu.enqueue_indirect_dma source(%dma_start3A_92 : memref<51200xf32, #tpu.memory_space<vmem_shared>>) target(%arg16 : memref<128xf32, #tpu.memory_space<vmem>>) offsets(%dma_start3A_90 : memref<128xi32, #tpu.memory_space<vmem>>) semaphore(%arg22 : memref<!tpu.dma_semaphore, #tpu.memory_space<semaphore_mem>>)
        %dma_start3A_93 = arith.constant 0 : i32
        %dma_start3A_94 = tpu.memref_slice %arg13[%scan3A_83, %dma_start3A_93] : memref<16x128xi32, #tpu.memory_space<vmem>> -> memref<1x128xi32, #tpu.memory_space<vmem>>
        %dma_start3A_95 = tpu.memref_squeeze %dma_start3A_94 : memref<1x128xi32, #tpu.memory_space<vmem>> -> memref<128xi32, #tpu.memory_space<vmem>>
        %dma_start3A_96 = arith.constant 0 : i32
        %dma_start3A_97 = tpu.memref_slice %arg32[%dma_start3A_96] : memref<51200xf32, #tpu.memory_space<vmem_shared>> -> memref<51200xf32, #tpu.memory_space<vmem_shared>>
        tpu.enqueue_indirect_dma source(%dma_start3A_97 : memref<51200xf32, #tpu.memory_space<vmem_shared>>) target(%arg17 : memref<128xf32, #tpu.memory_space<vmem>>) offsets(%dma_start3A_95 : memref<128xi32, #tpu.memory_space<vmem>>) semaphore(%arg23 : memref<!tpu.dma_semaphore, #tpu.memory_space<semaphore_mem>>)
        %dma_start3A_98 = arith.constant 0 : i32
        %dma_start3A_99 = tpu.memref_slice %arg14[%scan3A_83, %dma_start3A_98] : memref<16x128xi32, #tpu.memory_space<vmem>> -> memref<1x128xi32, #tpu.memory_space<vmem>>
        %dma_start3A_100 = tpu.memref_squeeze %dma_start3A_99 : memref<1x128xi32, #tpu.memory_space<vmem>> -> memref<128xi32, #tpu.memory_space<vmem>>
        %dma_start3A_101 = arith.constant 0 : i32
        %dma_start3A_102 = tpu.memref_slice %arg33[%dma_start3A_101] : memref<51200xf32, #tpu.memory_space<vmem_shared>> -> memref<51200xf32, #tpu.memory_space<vmem_shared>>
        tpu.enqueue_indirect_dma source(%dma_start3A_102 : memref<51200xf32, #tpu.memory_space<vmem_shared>>) target(%arg18 : memref<128xf32, #tpu.memory_space<vmem>>) offsets(%dma_start3A_100 : memref<128xi32, #tpu.memory_space<vmem>>) semaphore(%arg24 : memref<!tpu.dma_semaphore, #tpu.memory_space<semaphore_mem>>)
        %dma_start3A_103 = arith.constant 0 : i32
        %dma_start3A_104 = tpu.memref_slice %arg14[%scan3A_83, %dma_start3A_103] : memref<16x128xi32, #tpu.memory_space<vmem>> -> memref<1x128xi32, #tpu.memory_space<vmem>>
        %dma_start3A_105 = tpu.memref_squeeze %dma_start3A_104 : memref<1x128xi32, #tpu.memory_space<vmem>> -> memref<128xi32, #tpu.memory_space<vmem>>
        %dma_start3A_106 = arith.constant 0 : i32
        %dma_start3A_107 = tpu.memref_slice %arg34[%dma_start3A_106] : memref<51200xi32, #tpu.memory_space<vmem_shared>> -> memref<51200xi32, #tpu.memory_space<vmem_shared>>
        tpu.enqueue_indirect_dma source(%dma_start3A_107 : memref<51200xi32, #tpu.memory_space<vmem_shared>>) target(%arg19 : memref<128xi32, #tpu.memory_space<vmem>>) offsets(%dma_start3A_105 : memref<128xi32, #tpu.memory_space<vmem>>) semaphore(%arg25 : memref<!tpu.dma_semaphore, #tpu.memory_space<semaphore_mem>>)
        %dma_wait3A = arith.constant 0 : i32
        %dma_wait3A_108 = tpu.memref_slice %arg13[%scan3A_83, %dma_wait3A] : memref<16x128xi32, #tpu.memory_space<vmem>> -> memref<1x128xi32, #tpu.memory_space<vmem>>
        %dma_wait3A_109 = tpu.memref_squeeze %dma_wait3A_108 : memref<1x128xi32, #tpu.memory_space<vmem>> -> memref<128xi32, #tpu.memory_space<vmem>>
        %dma_wait3A_110 = arith.constant 0 : i32
        %dma_wait3A_111 = tpu.memref_slice %arg30[%dma_wait3A_110] : memref<51200xf32, #tpu.memory_space<vmem_shared>> -> memref<51200xf32, #tpu.memory_space<vmem_shared>>
        tpu.wait_indirect_dma semaphore(%arg21 : memref<!tpu.dma_semaphore, #tpu.memory_space<semaphore_mem>>) src(%dma_wait3A_111 : memref<51200xf32, #tpu.memory_space<vmem_shared>>) dst(%arg15 : memref<128xf32, #tpu.memory_space<vmem>>)
        "tpu.region"() ({
          %run_scoped3A_242 = tpu.sem_alloc : memref<!tpu.dma_semaphore, #tpu.memory_space<semaphore_mem>>
          %dma_start3A_243 = arith.constant 0 : i32
          %dma_start3A_244 = tpu.memref_slice %arg14[%scan3A_83, %dma_start3A_243] : memref<16x128xi32, #tpu.memory_space<vmem>> -> memref<1x128xi32, #tpu.memory_space<vmem>>
          %dma_start3A_245 = tpu.memref_squeeze %dma_start3A_244 : memref<1x128xi32, #tpu.memory_space<vmem>> -> memref<128xi32, #tpu.memory_space<vmem>>
          %dma_start3A_246 = arith.constant 0 : i32
          %dma_start3A_247 = tpu.memref_slice %arg26[%dma_start3A_246] : memref<51200xf32, #tpu.memory_space<vmem_shared>> -> memref<51200xf32, #tpu.memory_space<vmem_shared>>
          tpu.enqueue_indirect_dma source(%arg15 : memref<128xf32, #tpu.memory_space<vmem>>) target(%dma_start3A_247 : memref<51200xf32, #tpu.memory_space<vmem_shared>>) offsets(%dma_start3A_245 : memref<128xi32, #tpu.memory_space<vmem>>) semaphore(%run_scoped3A_242 : memref<!tpu.dma_semaphore, #tpu.memory_space<semaphore_mem>>) {add = true}
          %dma_wait3A_248 = arith.constant 0 : i32
          %dma_wait3A_249 = tpu.memref_slice %arg14[%scan3A_83, %dma_wait3A_248] : memref<16x128xi32, #tpu.memory_space<vmem>> -> memref<1x128xi32, #tpu.memory_space<vmem>>
          %dma_wait3A_250 = tpu.memref_squeeze %dma_wait3A_249 : memref<1x128xi32, #tpu.memory_space<vmem>> -> memref<128xi32, #tpu.memory_space<vmem>>
          %dma_wait3A_251 = arith.constant 0 : i32
          %dma_wait3A_252 = tpu.memref_slice %arg26[%dma_wait3A_251] : memref<51200xf32, #tpu.memory_space<vmem_shared>> -> memref<51200xf32, #tpu.memory_space<vmem_shared>>
          tpu.wait_indirect_dma semaphore(%run_scoped3A_242 : memref<!tpu.dma_semaphore, #tpu.memory_space<semaphore_mem>>) src(%arg15 : memref<128xf32, #tpu.memory_space<vmem>>) dst(%dma_wait3A_252 : memref<51200xf32, #tpu.memory_space<vmem_shared>>)
          tpu.yield
        }) : () -> ()
        %dma_wait3A_112 = arith.constant 0 : i32
        %dma_wait3A_113 = tpu.memref_slice %arg13[%scan3A_83, %dma_wait3A_112] : memref<16x128xi32, #tpu.memory_space<vmem>> -> memref<1x128xi32, #tpu.memory_space<vmem>>
        %dma_wait3A_114 = tpu.memref_squeeze %dma_wait3A_113 : memref<1x128xi32, #tpu.memory_space<vmem>> -> memref<128xi32, #tpu.memory_space<vmem>>
        %dma_wait3A_115 = arith.constant 0 : i32
        %dma_wait3A_116 = tpu.memref_slice %arg31[%dma_wait3A_115] : memref<51200xf32, #tpu.memory_space<vmem_shared>> -> memref<51200xf32, #tpu.memory_space<vmem_shared>>
        tpu.wait_indirect_dma semaphore(%arg22 : memref<!tpu.dma_semaphore, #tpu.memory_space<semaphore_mem>>) src(%dma_wait3A_116 : memref<51200xf32, #tpu.memory_space<vmem_shared>>) dst(%arg16 : memref<128xf32, #tpu.memory_space<vmem>>)
        "tpu.region"() ({
          %run_scoped3A_242 = tpu.sem_alloc : memref<!tpu.dma_semaphore, #tpu.memory_space<semaphore_mem>>
          %dma_start3A_243 = arith.constant 0 : i32
          %dma_start3A_244 = tpu.memref_slice %arg14[%scan3A_83, %dma_start3A_243] : memref<16x128xi32, #tpu.memory_space<vmem>> -> memref<1x128xi32, #tpu.memory_space<vmem>>
          %dma_start3A_245 = tpu.memref_squeeze %dma_start3A_244 : memref<1x128xi32, #tpu.memory_space<vmem>> -> memref<128xi32, #tpu.memory_space<vmem>>
          %dma_start3A_246 = arith.constant 0 : i32
          %dma_start3A_247 = tpu.memref_slice %arg27[%dma_start3A_246] : memref<51200xf32, #tpu.memory_space<vmem_shared>> -> memref<51200xf32, #tpu.memory_space<vmem_shared>>
          tpu.enqueue_indirect_dma source(%arg16 : memref<128xf32, #tpu.memory_space<vmem>>) target(%dma_start3A_247 : memref<51200xf32, #tpu.memory_space<vmem_shared>>) offsets(%dma_start3A_245 : memref<128xi32, #tpu.memory_space<vmem>>) semaphore(%run_scoped3A_242 : memref<!tpu.dma_semaphore, #tpu.memory_space<semaphore_mem>>) {add = true}
          %dma_wait3A_248 = arith.constant 0 : i32
          %dma_wait3A_249 = tpu.memref_slice %arg14[%scan3A_83, %dma_wait3A_248] : memref<16x128xi32, #tpu.memory_space<vmem>> -> memref<1x128xi32, #tpu.memory_space<vmem>>
          %dma_wait3A_250 = tpu.memref_squeeze %dma_wait3A_249 : memref<1x128xi32, #tpu.memory_space<vmem>> -> memref<128xi32, #tpu.memory_space<vmem>>
          %dma_wait3A_251 = arith.constant 0 : i32
          %dma_wait3A_252 = tpu.memref_slice %arg27[%dma_wait3A_251] : memref<51200xf32, #tpu.memory_space<vmem_shared>> -> memref<51200xf32, #tpu.memory_space<vmem_shared>>
          tpu.wait_indirect_dma semaphore(%run_scoped3A_242 : memref<!tpu.dma_semaphore, #tpu.memory_space<semaphore_mem>>) src(%arg16 : memref<128xf32, #tpu.memory_space<vmem>>) dst(%dma_wait3A_252 : memref<51200xf32, #tpu.memory_space<vmem_shared>>)
          tpu.yield
        }) : () -> ()
        %dma_wait3A_117 = arith.constant 0 : i32
        %dma_wait3A_118 = tpu.memref_slice %arg13[%scan3A_83, %dma_wait3A_117] : memref<16x128xi32, #tpu.memory_space<vmem>> -> memref<1x128xi32, #tpu.memory_space<vmem>>
        %dma_wait3A_119 = tpu.memref_squeeze %dma_wait3A_118 : memref<1x128xi32, #tpu.memory_space<vmem>> -> memref<128xi32, #tpu.memory_space<vmem>>
        %dma_wait3A_120 = arith.constant 0 : i32
        %dma_wait3A_121 = tpu.memref_slice %arg32[%dma_wait3A_120] : memref<51200xf32, #tpu.memory_space<vmem_shared>> -> memref<51200xf32, #tpu.memory_space<vmem_shared>>
        tpu.wait_indirect_dma semaphore(%arg23 : memref<!tpu.dma_semaphore, #tpu.memory_space<semaphore_mem>>) src(%dma_wait3A_121 : memref<51200xf32, #tpu.memory_space<vmem_shared>>) dst(%arg17 : memref<128xf32, #tpu.memory_space<vmem>>)
        "tpu.region"() ({
          %run_scoped3A_242 = tpu.sem_alloc : memref<!tpu.dma_semaphore, #tpu.memory_space<semaphore_mem>>
          %dma_start3A_243 = arith.constant 0 : i32
          %dma_start3A_244 = tpu.memref_slice %arg14[%scan3A_83, %dma_start3A_243] : memref<16x128xi32, #tpu.memory_space<vmem>> -> memref<1x128xi32, #tpu.memory_space<vmem>>
          %dma_start3A_245 = tpu.memref_squeeze %dma_start3A_244 : memref<1x128xi32, #tpu.memory_space<vmem>> -> memref<128xi32, #tpu.memory_space<vmem>>
          %dma_start3A_246 = arith.constant 0 : i32
          %dma_start3A_247 = tpu.memref_slice %arg28[%dma_start3A_246] : memref<51200xf32, #tpu.memory_space<vmem_shared>> -> memref<51200xf32, #tpu.memory_space<vmem_shared>>
          tpu.enqueue_indirect_dma source(%arg17 : memref<128xf32, #tpu.memory_space<vmem>>) target(%dma_start3A_247 : memref<51200xf32, #tpu.memory_space<vmem_shared>>) offsets(%dma_start3A_245 : memref<128xi32, #tpu.memory_space<vmem>>) semaphore(%run_scoped3A_242 : memref<!tpu.dma_semaphore, #tpu.memory_space<semaphore_mem>>) {add = true}
          %dma_wait3A_248 = arith.constant 0 : i32
          %dma_wait3A_249 = tpu.memref_slice %arg14[%scan3A_83, %dma_wait3A_248] : memref<16x128xi32, #tpu.memory_space<vmem>> -> memref<1x128xi32, #tpu.memory_space<vmem>>
          %dma_wait3A_250 = tpu.memref_squeeze %dma_wait3A_249 : memref<1x128xi32, #tpu.memory_space<vmem>> -> memref<128xi32, #tpu.memory_space<vmem>>
          %dma_wait3A_251 = arith.constant 0 : i32
          %dma_wait3A_252 = tpu.memref_slice %arg28[%dma_wait3A_251] : memref<51200xf32, #tpu.memory_space<vmem_shared>> -> memref<51200xf32, #tpu.memory_space<vmem_shared>>
          tpu.wait_indirect_dma semaphore(%run_scoped3A_242 : memref<!tpu.dma_semaphore, #tpu.memory_space<semaphore_mem>>) src(%arg17 : memref<128xf32, #tpu.memory_space<vmem>>) dst(%dma_wait3A_252 : memref<51200xf32, #tpu.memory_space<vmem_shared>>)
          tpu.yield
        }) : () -> ()
        %dma_wait3A_122 = arith.constant 0 : i32
        %dma_wait3A_123 = tpu.memref_slice %arg14[%scan3A_83, %dma_wait3A_122] : memref<16x128xi32, #tpu.memory_space<vmem>> -> memref<1x128xi32, #tpu.memory_space<vmem>>
        %dma_wait3A_124 = tpu.memref_squeeze %dma_wait3A_123 : memref<1x128xi32, #tpu.memory_space<vmem>> -> memref<128xi32, #tpu.memory_space<vmem>>
        %dma_wait3A_125 = arith.constant 0 : i32
        %dma_wait3A_126 = tpu.memref_slice %arg34[%dma_wait3A_125] : memref<51200xi32, #tpu.memory_space<vmem_shared>> -> memref<51200xi32, #tpu.memory_space<vmem_shared>>
        tpu.wait_indirect_dma semaphore(%arg25 : memref<!tpu.dma_semaphore, #tpu.memory_space<semaphore_mem>>) src(%dma_wait3A_126 : memref<51200xi32, #tpu.memory_space<vmem_shared>>) dst(%arg19 : memref<128xi32, #tpu.memory_space<vmem>>)
        %get3A = arith.constant 0 : index
        %get3A_127 = tpu.vector_load %arg19[%get3A] {strides = array<i32>} : memref<128xi32, #tpu.memory_space<vmem>>, vector<16xi32>,
        %get3A_128 = vector.shape_cast %get3A_127 : vector<16xi32> to vector<16xi32>
        %get3A_129 = arith.index_cast %scan3A_83 : i32 to index
        %get3A_130 = arith.constant 0 : index
        %get3A_131 = tpu.vector_load %arg13[%get3A_129, %get3A_130] {strides = array<i32>} : memref<16x128xi32, #tpu.memory_space<vmem>>, vector<1x16xi32>,
        %get3A_132 = vector.shape_cast %get3A_131 : vector<1x16xi32> to vector<16xi32>
        %add3A_133 = arith.addi %get3A_128, %get3A_132 : vector<16xi32>
        %swap3A = arith.constant 0 : i32
        %swap3A_134 = arith.index_cast %swap3A : i32 to index
        %swap3A_135 = arith.constant 0 : index
        %swap3A_136 = tpu.vector_load %arg20[%swap3A_134, %swap3A_135] {strides = array<i32>} : memref<1x128xi32, #tpu.memory_space<vmem>>, vector<1x16xi32>,
        %swap3A_137 = vector.shape_cast %swap3A_136 : vector<1x16xi32> to vector<16xi32>
        %swap3A_138 = vector.shape_cast %add3A_133 : vector<16xi32> to vector<1x16xi32>
        tpu.vector_store %arg20[%swap3A_134, %swap3A_135], %swap3A_138 {strides = array<i32>} : memref<1x128xi32, #tpu.memory_space<vmem>>, vector<1x16xi32>,
        %get3A_139 = arith.constant 16 : index
        %get3A_140 = tpu.vector_load %arg19[%get3A_139] {strides = array<i32>} : memref<128xi32, #tpu.memory_space<vmem>>, vector<16xi32>,
        %get3A_141 = vector.shape_cast %get3A_140 : vector<16xi32> to vector<16xi32>
        %get3A_142 = arith.index_cast %scan3A_83 : i32 to index
        %get3A_143 = arith.constant 16 : index
        %get3A_144 = tpu.vector_load %arg13[%get3A_142, %get3A_143] {strides = array<i32>} : memref<16x128xi32, #tpu.memory_space<vmem>>, vector<1x16xi32>,
        %get3A_145 = vector.shape_cast %get3A_144 : vector<1x16xi32> to vector<16xi32>
        %add3A_146 = arith.addi %get3A_141, %get3A_145 : vector<16xi32>
        %swap3A_147 = arith.constant 0 : i32
        %swap3A_148 = arith.index_cast %swap3A_147 : i32 to index
        %swap3A_149 = arith.constant 16 : index
        %swap3A_150 = tpu.vector_load %arg20[%swap3A_148, %swap3A_149] {strides = array<i32>} : memref<1x128xi32, #tpu.memory_space<vmem>>, vector<1x16xi32>,
        %swap3A_151 = vector.shape_cast %swap3A_150 : vector<1x16xi32> to vector<16xi32>
        %swap3A_152 = vector.shape_cast %add3A_146 : vector<16xi32> to vector<1x16xi32>
        tpu.vector_store %arg20[%swap3A_148, %swap3A_149], %swap3A_152 {strides = array<i32>} : memref<1x128xi32, #tpu.memory_space<vmem>>, vector<1x16xi32>,
        %get3A_153 = arith.constant 32 : index
        %get3A_154 = tpu.vector_load %arg19[%get3A_153] {strides = array<i32>} : memref<128xi32, #tpu.memory_space<vmem>>, vector<16xi32>,
        %get3A_155 = vector.shape_cast %get3A_154 : vector<16xi32> to vector<16xi32>
        %get3A_156 = arith.index_cast %scan3A_83 : i32 to index
        %get3A_157 = arith.constant 32 : index
        %get3A_158 = tpu.vector_load %arg13[%get3A_156, %get3A_157] {strides = array<i32>} : memref<16x128xi32, #tpu.memory_space<vmem>>, vector<1x16xi32>,
        %get3A_159 = vector.shape_cast %get3A_158 : vector<1x16xi32> to vector<16xi32>
        %add3A_160 = arith.addi %get3A_155, %get3A_159 : vector<16xi32>
        %swap3A_161 = arith.constant 0 : i32
        %swap3A_162 = arith.index_cast %swap3A_161 : i32 to index
        %swap3A_163 = arith.constant 32 : index
        %swap3A_164 = tpu.vector_load %arg20[%swap3A_162, %swap3A_163] {strides = array<i32>} : memref<1x128xi32, #tpu.memory_space<vmem>>, vector<1x16xi32>,
        %swap3A_165 = vector.shape_cast %swap3A_164 : vector<1x16xi32> to vector<16xi32>
        %swap3A_166 = vector.shape_cast %add3A_160 : vector<16xi32> to vector<1x16xi32>
        tpu.vector_store %arg20[%swap3A_162, %swap3A_163], %swap3A_166 {strides = array<i32>} : memref<1x128xi32, #tpu.memory_space<vmem>>, vector<1x16xi32>,
        %get3A_167 = arith.constant 48 : index
        %get3A_168 = tpu.vector_load %arg19[%get3A_167] {strides = array<i32>} : memref<128xi32, #tpu.memory_space<vmem>>, vector<16xi32>,
        %get3A_169 = vector.shape_cast %get3A_168 : vector<16xi32> to vector<16xi32>
        %get3A_170 = arith.index_cast %scan3A_83 : i32 to index
        %get3A_171 = arith.constant 48 : index
        %get3A_172 = tpu.vector_load %arg13[%get3A_170, %get3A_171] {strides = array<i32>} : memref<16x128xi32, #tpu.memory_space<vmem>>, vector<1x16xi32>,
        %get3A_173 = vector.shape_cast %get3A_172 : vector<1x16xi32> to vector<16xi32>
        %add3A_174 = arith.addi %get3A_169, %get3A_173 : vector<16xi32>
        %swap3A_175 = arith.constant 0 : i32
        %swap3A_176 = arith.index_cast %swap3A_175 : i32 to index
        %swap3A_177 = arith.constant 48 : index
        %swap3A_178 = tpu.vector_load %arg20[%swap3A_176, %swap3A_177] {strides = array<i32>} : memref<1x128xi32, #tpu.memory_space<vmem>>, vector<1x16xi32>,
        %swap3A_179 = vector.shape_cast %swap3A_178 : vector<1x16xi32> to vector<16xi32>
        %swap3A_180 = vector.shape_cast %add3A_174 : vector<16xi32> to vector<1x16xi32>
        tpu.vector_store %arg20[%swap3A_176, %swap3A_177], %swap3A_180 {strides = array<i32>} : memref<1x128xi32, #tpu.memory_space<vmem>>, vector<1x16xi32>,
        %get3A_181 = arith.constant 64 : index
        %get3A_182 = tpu.vector_load %arg19[%get3A_181] {strides = array<i32>} : memref<128xi32, #tpu.memory_space<vmem>>, vector<16xi32>,
        %get3A_183 = vector.shape_cast %get3A_182 : vector<16xi32> to vector<16xi32>
        %get3A_184 = arith.index_cast %scan3A_83 : i32 to index
        %get3A_185 = arith.constant 64 : index
        %get3A_186 = tpu.vector_load %arg13[%get3A_184, %get3A_185] {strides = array<i32>} : memref<16x128xi32, #tpu.memory_space<vmem>>, vector<1x16xi32>,
        %get3A_187 = vector.shape_cast %get3A_186 : vector<1x16xi32> to vector<16xi32>
        %add3A_188 = arith.addi %get3A_183, %get3A_187 : vector<16xi32>
        %swap3A_189 = arith.constant 0 : i32
        %swap3A_190 = arith.index_cast %swap3A_189 : i32 to index
        %swap3A_191 = arith.constant 64 : index
        %swap3A_192 = tpu.vector_load %arg20[%swap3A_190, %swap3A_191] {strides = array<i32>} : memref<1x128xi32, #tpu.memory_space<vmem>>, vector<1x16xi32>,
        %swap3A_193 = vector.shape_cast %swap3A_192 : vector<1x16xi32> to vector<16xi32>
        %swap3A_194 = vector.shape_cast %add3A_188 : vector<16xi32> to vector<1x16xi32>
        tpu.vector_store %arg20[%swap3A_190, %swap3A_191], %swap3A_194 {strides = array<i32>} : memref<1x128xi32, #tpu.memory_space<vmem>>, vector<1x16xi32>,
        %get3A_195 = arith.constant 80 : index
        %get3A_196 = tpu.vector_load %arg19[%get3A_195] {strides = array<i32>} : memref<128xi32, #tpu.memory_space<vmem>>, vector<16xi32>,
        %get3A_197 = vector.shape_cast %get3A_196 : vector<16xi32> to vector<16xi32>
        %get3A_198 = arith.index_cast %scan3A_83 : i32 to index
        %get3A_199 = arith.constant 80 : index
        %get3A_200 = tpu.vector_load %arg13[%get3A_198, %get3A_199] {strides = array<i32>} : memref<16x128xi32, #tpu.memory_space<vmem>>, vector<1x16xi32>,
        %get3A_201 = vector.shape_cast %get3A_200 : vector<1x16xi32> to vector<16xi32>
        %add3A_202 = arith.addi %get3A_197, %get3A_201 : vector<16xi32>
        %swap3A_203 = arith.constant 0 : i32
        %swap3A_204 = arith.index_cast %swap3A_203 : i32 to index
        %swap3A_205 = arith.constant 80 : index
        %swap3A_206 = tpu.vector_load %arg20[%swap3A_204, %swap3A_205] {strides = array<i32>} : memref<1x128xi32, #tpu.memory_space<vmem>>, vector<1x16xi32>,
        %swap3A_207 = vector.shape_cast %swap3A_206 : vector<1x16xi32> to vector<16xi32>
        %swap3A_208 = vector.shape_cast %add3A_202 : vector<16xi32> to vector<1x16xi32>
        tpu.vector_store %arg20[%swap3A_204, %swap3A_205], %swap3A_208 {strides = array<i32>} : memref<1x128xi32, #tpu.memory_space<vmem>>, vector<1x16xi32>,
        %get3A_209 = arith.constant 96 : index
        %get3A_210 = tpu.vector_load %arg19[%get3A_209] {strides = array<i32>} : memref<128xi32, #tpu.memory_space<vmem>>, vector<16xi32>,
        %get3A_211 = vector.shape_cast %get3A_210 : vector<16xi32> to vector<16xi32>
        %get3A_212 = arith.index_cast %scan3A_83 : i32 to index
        %get3A_213 = arith.constant 96 : index
        %get3A_214 = tpu.vector_load %arg13[%get3A_212, %get3A_213] {strides = array<i32>} : memref<16x128xi32, #tpu.memory_space<vmem>>, vector<1x16xi32>,
        %get3A_215 = vector.shape_cast %get3A_214 : vector<1x16xi32> to vector<16xi32>
        %add3A_216 = arith.addi %get3A_211, %get3A_215 : vector<16xi32>
        %swap3A_217 = arith.constant 0 : i32
        %swap3A_218 = arith.index_cast %swap3A_217 : i32 to index
        %swap3A_219 = arith.constant 96 : index
        %swap3A_220 = tpu.vector_load %arg20[%swap3A_218, %swap3A_219] {strides = array<i32>} : memref<1x128xi32, #tpu.memory_space<vmem>>, vector<1x16xi32>,
        %swap3A_221 = vector.shape_cast %swap3A_220 : vector<1x16xi32> to vector<16xi32>
        %swap3A_222 = vector.shape_cast %add3A_216 : vector<16xi32> to vector<1x16xi32>
        tpu.vector_store %arg20[%swap3A_218, %swap3A_219], %swap3A_222 {strides = array<i32>} : memref<1x128xi32, #tpu.memory_space<vmem>>, vector<1x16xi32>,
        %get3A_223 = arith.constant 112 : index
        %get3A_224 = tpu.vector_load %arg19[%get3A_223] {strides = array<i32>} : memref<128xi32, #tpu.memory_space<vmem>>, vector<16xi32>,
        %get3A_225 = vector.shape_cast %get3A_224 : vector<16xi32> to vector<16xi32>
        %get3A_226 = arith.index_cast %scan3A_83 : i32 to index
        %get3A_227 = arith.constant 112 : index
        %get3A_228 = tpu.vector_load %arg13[%get3A_226, %get3A_227] {strides = array<i32>} : memref<16x128xi32, #tpu.memory_space<vmem>>, vector<1x16xi32>,
        %get3A_229 = vector.shape_cast %get3A_228 : vector<1x16xi32> to vector<16xi32>
        %add3A_230 = arith.addi %get3A_225, %get3A_229 : vector<16xi32>
        %swap3A_231 = arith.constant 0 : i32
        %swap3A_232 = arith.index_cast %swap3A_231 : i32 to index
        %swap3A_233 = arith.constant 112 : index
        %swap3A_234 = tpu.vector_load %arg20[%swap3A_232, %swap3A_233] {strides = array<i32>} : memref<1x128xi32, #tpu.memory_space<vmem>>, vector<1x16xi32>,
        %swap3A_235 = vector.shape_cast %swap3A_234 : vector<1x16xi32> to vector<16xi32>
        %swap3A_236 = vector.shape_cast %add3A_230 : vector<16xi32> to vector<1x16xi32>
        tpu.vector_store %arg20[%swap3A_232, %swap3A_233], %swap3A_236 {strides = array<i32>} : memref<1x128xi32, #tpu.memory_space<vmem>>, vector<1x16xi32>,
        %dma_wait3A_237 = arith.constant 0 : i32
        %dma_wait3A_238 = tpu.memref_slice %arg14[%scan3A_83, %dma_wait3A_237] : memref<16x128xi32, #tpu.memory_space<vmem>> -> memref<1x128xi32, #tpu.memory_space<vmem>>
        %dma_wait3A_239 = tpu.memref_squeeze %dma_wait3A_238 : memref<1x128xi32, #tpu.memory_space<vmem>> -> memref<128xi32, #tpu.memory_space<vmem>>
        %dma_wait3A_240 = arith.constant 0 : i32
        %dma_wait3A_241 = tpu.memref_slice %arg33[%dma_wait3A_240] : memref<51200xf32, #tpu.memory_space<vmem_shared>> -> memref<51200xf32, #tpu.memory_space<vmem_shared>>
        tpu.wait_indirect_dma semaphore(%arg24 : memref<!tpu.dma_semaphore, #tpu.memory_space<semaphore_mem>>) src(%dma_wait3A_241 : memref<51200xf32, #tpu.memory_space<vmem_shared>>) dst(%arg18 : memref<128xf32, #tpu.memory_space<vmem>>)
        %run_scoped3A = arith.constant 0 : i32
        "tpu.region"() ({
          %run_scoped3A_242 = tpu.sem_alloc : memref<!tpu.dma_semaphore, #tpu.memory_space<semaphore_mem>>
          %dma_start3A_243 = arith.constant 0 : i32
          %dma_start3A_244 = tpu.memref_slice %arg20[%run_scoped3A, %dma_start3A_243] : memref<1x128xi32, #tpu.memory_space<vmem>> -> memref<1x128xi32, #tpu.memory_space<vmem>>
          %dma_start3A_245 = tpu.memref_squeeze %dma_start3A_244 : memref<1x128xi32, #tpu.memory_space<vmem>> -> memref<128xi32, #tpu.memory_space<vmem>>
          %dma_start3A_246 = arith.constant 0 : i32
          %dma_start3A_247 = tpu.memref_slice %arg29[%dma_start3A_246] : memref<852992xf32, #tpu.memory_space<vmem_shared>> -> memref<852992xf32, #tpu.memory_space<vmem_shared>>
          tpu.enqueue_indirect_dma source(%arg18 : memref<128xf32, #tpu.memory_space<vmem>>) target(%dma_start3A_247 : memref<852992xf32, #tpu.memory_space<vmem_shared>>) offsets(%dma_start3A_245 : memref<128xi32, #tpu.memory_space<vmem>>) semaphore(%run_scoped3A_242 : memref<!tpu.dma_semaphore, #tpu.memory_space<semaphore_mem>>) {add = true}
          %dma_wait3A_248 = arith.constant 0 : i32
          %dma_wait3A_249 = tpu.memref_slice %arg20[%run_scoped3A, %dma_wait3A_248] : memref<1x128xi32, #tpu.memory_space<vmem>> -> memref<1x128xi32, #tpu.memory_space<vmem>>
          %dma_wait3A_250 = tpu.memref_squeeze %dma_wait3A_249 : memref<1x128xi32, #tpu.memory_space<vmem>> -> memref<128xi32, #tpu.memory_space<vmem>>
          %dma_wait3A_251 = arith.constant 0 : i32
          %dma_wait3A_252 = tpu.memref_slice %arg29[%dma_wait3A_251] : memref<852992xf32, #tpu.memory_space<vmem_shared>> -> memref<852992xf32, #tpu.memory_space<vmem_shared>>
          tpu.wait_indirect_dma semaphore(%run_scoped3A_242 : memref<!tpu.dma_semaphore, #tpu.memory_space<semaphore_mem>>) src(%arg18 : memref<128xf32, #tpu.memory_space<vmem>>) dst(%dma_wait3A_252 : memref<852992xf32, #tpu.memory_space<vmem_shared>>)
          tpu.yield
        }) : () -> ()
      }
      %scan3A_82 = arith.constant 16 : i32
    }
    %scan3A_49 = arith.constant 25 : i32
    %barrier3A_50 = arith.constant 0 : index
    tpu.barrier barrier_id(%barrier3A_50)
    %eq3A_51 = arith.constant 9 : i32
    %eq3A_52 = arith.cmpi eq, %arg1, %eq3A_51 : i32
    %convert_element_type3A_53 = arith.extui %eq3A_52 : i1 to i32
    %cond3A_54 = arith.constant 0 : i32
    %cond3A_55 = arith.cmpi ne, %convert_element_type3A_53, %cond3A_54 : i32
    scf.if %cond3A_55 {
      %mul3A_71 = arith.constant 3 : i32
      %mul3A_72 = arith.muli %arg0, %mul3A_71 : i32
      %mul3A_73 = arith.constant 51200 : i32
      %mul3A_74 = arith.muli %mul3A_72, %mul3A_73 : i32
      %add3A_75 = arith.constant 0 : i32
      %add3A_76 = arith.addi %mul3A_74, %add3A_75 : i32
      "tpu.region"() ({
        %run_scoped3A = tpu.sem_alloc : memref<!tpu.dma_semaphore, #tpu.memory_space<semaphore_mem>>
        %dma_start3A = tpu.memref_slice %arg11[%add3A_76] : memref<307200xf32, #tpu.memory_space<hbm>> -> memref<51200xf32, #tpu.memory_space<hbm>>
        tpu.enqueue_dma source(%arg26 : memref<51200xf32, #tpu.memory_space<vmem_shared>>) target(%dma_start3A : memref<51200xf32, #tpu.memory_space<hbm>>) target_semaphore(%run_scoped3A : memref<!tpu.dma_semaphore, #tpu.memory_space<semaphore_mem>>)
        %dma_wait3A = tpu.memref_slice %arg11[%add3A_76] : memref<307200xf32, #tpu.memory_space<hbm>> -> memref<51200xf32, #tpu.memory_space<hbm>>
        tpu.wait_dma2 semaphore(%run_scoped3A : memref<!tpu.dma_semaphore, #tpu.memory_space<semaphore_mem>>) src(%arg26 : memref<51200xf32, #tpu.memory_space<vmem_shared>>) dst(%dma_wait3A : memref<51200xf32, #tpu.memory_space<hbm>>)
        tpu.yield
      }) : () -> ()
    } else {
    }
    %eq3A_56 = arith.constant 10 : i32
    %eq3A_57 = arith.cmpi eq, %arg1, %eq3A_56 : i32
    %convert_element_type3A_58 = arith.extui %eq3A_57 : i1 to i32
    %cond3A_59 = arith.constant 0 : i32
    %cond3A_60 = arith.cmpi ne, %convert_element_type3A_58, %cond3A_59 : i32
    scf.if %cond3A_60 {
      %mul3A_71 = arith.constant 3 : i32
      %mul3A_72 = arith.muli %arg0, %mul3A_71 : i32
      %mul3A_73 = arith.constant 51200 : i32
      %mul3A_74 = arith.muli %mul3A_72, %mul3A_73 : i32
      %add3A_75 = arith.constant 51200 : i32
      %add3A_76 = arith.addi %mul3A_74, %add3A_75 : i32
      "tpu.region"() ({
        %run_scoped3A = tpu.sem_alloc : memref<!tpu.dma_semaphore, #tpu.memory_space<semaphore_mem>>
        %dma_start3A = tpu.memref_slice %arg11[%add3A_76] : memref<307200xf32, #tpu.memory_space<hbm>> -> memref<51200xf32, #tpu.memory_space<hbm>>
        tpu.enqueue_dma source(%arg27 : memref<51200xf32, #tpu.memory_space<vmem_shared>>) target(%dma_start3A : memref<51200xf32, #tpu.memory_space<hbm>>) target_semaphore(%run_scoped3A : memref<!tpu.dma_semaphore, #tpu.memory_space<semaphore_mem>>)
        %dma_wait3A = tpu.memref_slice %arg11[%add3A_76] : memref<307200xf32, #tpu.memory_space<hbm>> -> memref<51200xf32, #tpu.memory_space<hbm>>
        tpu.wait_dma2 semaphore(%run_scoped3A : memref<!tpu.dma_semaphore, #tpu.memory_space<semaphore_mem>>) src(%arg27 : memref<51200xf32, #tpu.memory_space<vmem_shared>>) dst(%dma_wait3A : memref<51200xf32, #tpu.memory_space<hbm>>)
        tpu.yield
      }) : () -> ()
    } else {
    }
    %eq3A_61 = arith.constant 11 : i32
    %eq3A_62 = arith.cmpi eq, %arg1, %eq3A_61 : i32
    %convert_element_type3A_63 = arith.extui %eq3A_62 : i1 to i32
    %cond3A_64 = arith.constant 0 : i32
    %cond3A_65 = arith.cmpi ne, %convert_element_type3A_63, %cond3A_64 : i32
    scf.if %cond3A_65 {
      %mul3A_71 = arith.constant 3 : i32
      %mul3A_72 = arith.muli %arg0, %mul3A_71 : i32
      %mul3A_73 = arith.constant 51200 : i32
      %mul3A_74 = arith.muli %mul3A_72, %mul3A_73 : i32
      %add3A_75 = arith.constant 102400 : i32
      %add3A_76 = arith.addi %mul3A_74, %add3A_75 : i32
      "tpu.region"() ({
        %run_scoped3A = tpu.sem_alloc : memref<!tpu.dma_semaphore, #tpu.memory_space<semaphore_mem>>
        %dma_start3A = tpu.memref_slice %arg11[%add3A_76] : memref<307200xf32, #tpu.memory_space<hbm>> -> memref<51200xf32, #tpu.memory_space<hbm>>
        tpu.enqueue_dma source(%arg28 : memref<51200xf32, #tpu.memory_space<vmem_shared>>) target(%dma_start3A : memref<51200xf32, #tpu.memory_space<hbm>>) target_semaphore(%run_scoped3A : memref<!tpu.dma_semaphore, #tpu.memory_space<semaphore_mem>>)
        %dma_wait3A = tpu.memref_slice %arg11[%add3A_76] : memref<307200xf32, #tpu.memory_space<hbm>> -> memref<51200xf32, #tpu.memory_space<hbm>>
        tpu.wait_dma2 semaphore(%run_scoped3A : memref<!tpu.dma_semaphore, #tpu.memory_space<semaphore_mem>>) src(%arg28 : memref<51200xf32, #tpu.memory_space<vmem_shared>>) dst(%dma_wait3A : memref<51200xf32, #tpu.memory_space<hbm>>)
        tpu.yield
      }) : () -> ()
    } else {
    }
    %eq3A_66 = arith.constant 12 : i32
    %eq3A_67 = arith.cmpi eq, %arg1, %eq3A_66 : i32
    %convert_element_type3A_68 = arith.extui %eq3A_67 : i1 to i32
    %cond3A_69 = arith.constant 0 : i32
    %cond3A_70 = arith.cmpi ne, %convert_element_type3A_68, %cond3A_69 : i32
    scf.if %cond3A_70 {
      %mul3A_71 = arith.constant 852992 : i32
      %mul3A_72 = arith.muli %arg0, %mul3A_71 : i32
      "tpu.region"() ({
        %run_scoped3A = tpu.sem_alloc : memref<!tpu.dma_semaphore, #tpu.memory_space<semaphore_mem>>
        %dma_start3A = tpu.memref_slice %arg12[%mul3A_72] : memref<1705984xf32, #tpu.memory_space<hbm>> -> memref<852992xf32, #tpu.memory_space<hbm>>
        tpu.enqueue_dma source(%arg29 : memref<852992xf32, #tpu.memory_space<vmem_shared>>) target(%dma_start3A : memref<852992xf32, #tpu.memory_space<hbm>>) target_semaphore(%run_scoped3A : memref<!tpu.dma_semaphore, #tpu.memory_space<semaphore_mem>>)
        %dma_wait3A = tpu.memref_slice %arg12[%mul3A_72] : memref<1705984xf32, #tpu.memory_space<hbm>> -> memref<852992xf32, #tpu.memory_space<hbm>>
        tpu.wait_dma2 semaphore(%run_scoped3A : memref<!tpu.dma_semaphore, #tpu.memory_space<semaphore_mem>>) src(%arg29 : memref<852992xf32, #tpu.memory_space<vmem_shared>>) dst(%dma_wait3A : memref<852992xf32, #tpu.memory_space<hbm>>)
        tpu.yield
      }) : () -> ()
    } else {
    }
    return
  }
}

#map = affine_map<(d0, d1) -> (0, 0)>
#map1 = affine_map<(d0, d1) -> (0)>
module attributes {stable_mosaic.version = 14 : i64} {
  func.func @_sc_deg_body(%arg0: i32, %arg1: i32, %arg2: memref<12800x128xi32, #tpu.memory_space<hbm>>, %arg3: memref<51200xf32, #tpu.memory_space<hbm>>, %arg4: memref<102400xf32, #tpu.memory_space<hbm>>, %arg5: memref<16x128xi32, #tpu.memory_space<vmem>>, %arg6: memref<128xf32, #tpu.memory_space<vmem>>, %arg7: memref<51200xf32, #tpu.memory_space<vmem_shared>>) attributes {dimension_semantics = [#tpu.dimension_semantics<core_parallel>, #tpu.dimension_semantics<subcore_parallel>], iteration_bounds = array<i64: 2, 16>, scalar_prefetch = 0 : i64, scratch_operands = 3 : i64, tpu.core_type = #tpu.core_type<sc_vector_subcore>, window_params = [{transform_indices = #map}, {transform_indices = #map1}, {transform_indices = #map1}]} {
    %mul3A = arith.constant 16 : i32
    %mul3A_0 = arith.muli %arg0, %mul3A : i32
    %add3A = arith.addi %mul3A_0, %arg1 : i32
    %eq3A = arith.constant 0 : i32
    %eq3A_1 = arith.cmpi eq, %arg1, %eq3A : i32
    %convert_element_type3A = arith.extui %eq3A_1 : i1 to i32
    %cond3A = arith.constant 0 : i32
    %cond3A_2 = arith.cmpi ne, %convert_element_type3A, %cond3A : i32
    scf.if %cond3A_2 {
      "tpu.region"() ({
        %run_scoped3A = tpu.sem_alloc : memref<!tpu.dma_semaphore, #tpu.memory_space<semaphore_mem>>
        tpu.enqueue_dma source(%arg3 : memref<51200xf32, #tpu.memory_space<hbm>>) target(%arg7 : memref<51200xf32, #tpu.memory_space<vmem_shared>>) target_semaphore(%run_scoped3A : memref<!tpu.dma_semaphore, #tpu.memory_space<semaphore_mem>>)
        tpu.wait_dma2 semaphore(%run_scoped3A : memref<!tpu.dma_semaphore, #tpu.memory_space<semaphore_mem>>) src(%arg3 : memref<51200xf32, #tpu.memory_space<hbm>>) dst(%arg7 : memref<51200xf32, #tpu.memory_space<vmem_shared>>)
        tpu.yield
      }) : () -> ()
    } else {
    }
    %broadcast_in_dim3A = arith.constant 1.000000e+00 : f32
    %broadcast_in_dim3A_3 = vector.broadcast %broadcast_in_dim3A : f32 to vector<16xf32>
    %swap3A = arith.constant 0 : index
    %swap3A_4 = tpu.vector_load %arg6[%swap3A] {strides = array<i32>} : memref<128xf32, #tpu.memory_space<vmem>>, vector<16xf32>,
    %swap3A_5 = vector.shape_cast %swap3A_4 : vector<16xf32> to vector<16xf32>
    %swap3A_6 = vector.shape_cast %broadcast_in_dim3A_3 : vector<16xf32> to vector<16xf32>
    tpu.vector_store %arg6[%swap3A], %swap3A_6 {strides = array<i32>} : memref<128xf32, #tpu.memory_space<vmem>>, vector<16xf32>,
    %broadcast_in_dim3A_7 = arith.constant 1.000000e+00 : f32
    %broadcast_in_dim3A_8 = vector.broadcast %broadcast_in_dim3A_7 : f32 to vector<16xf32>
    %swap3A_9 = arith.constant 16 : index
    %swap3A_10 = tpu.vector_load %arg6[%swap3A_9] {strides = array<i32>} : memref<128xf32, #tpu.memory_space<vmem>>, vector<16xf32>,
    %swap3A_11 = vector.shape_cast %swap3A_10 : vector<16xf32> to vector<16xf32>
    %swap3A_12 = vector.shape_cast %broadcast_in_dim3A_8 : vector<16xf32> to vector<16xf32>
    tpu.vector_store %arg6[%swap3A_9], %swap3A_12 {strides = array<i32>} : memref<128xf32, #tpu.memory_space<vmem>>, vector<16xf32>,
    %broadcast_in_dim3A_13 = arith.constant 1.000000e+00 : f32
    %broadcast_in_dim3A_14 = vector.broadcast %broadcast_in_dim3A_13 : f32 to vector<16xf32>
    %swap3A_15 = arith.constant 32 : index
    %swap3A_16 = tpu.vector_load %arg6[%swap3A_15] {strides = array<i32>} : memref<128xf32, #tpu.memory_space<vmem>>, vector<16xf32>,
    %swap3A_17 = vector.shape_cast %swap3A_16 : vector<16xf32> to vector<16xf32>
    %swap3A_18 = vector.shape_cast %broadcast_in_dim3A_14 : vector<16xf32> to vector<16xf32>
    tpu.vector_store %arg6[%swap3A_15], %swap3A_18 {strides = array<i32>} : memref<128xf32, #tpu.memory_space<vmem>>, vector<16xf32>,
    %broadcast_in_dim3A_19 = arith.constant 1.000000e+00 : f32
    %broadcast_in_dim3A_20 = vector.broadcast %broadcast_in_dim3A_19 : f32 to vector<16xf32>
    %swap3A_21 = arith.constant 48 : index
    %swap3A_22 = tpu.vector_load %arg6[%swap3A_21] {strides = array<i32>} : memref<128xf32, #tpu.memory_space<vmem>>, vector<16xf32>,
    %swap3A_23 = vector.shape_cast %swap3A_22 : vector<16xf32> to vector<16xf32>
    %swap3A_24 = vector.shape_cast %broadcast_in_dim3A_20 : vector<16xf32> to vector<16xf32>
    tpu.vector_store %arg6[%swap3A_21], %swap3A_24 {strides = array<i32>} : memref<128xf32, #tpu.memory_space<vmem>>, vector<16xf32>,
    %broadcast_in_dim3A_25 = arith.constant 1.000000e+00 : f32
    %broadcast_in_dim3A_26 = vector.broadcast %broadcast_in_dim3A_25 : f32 to vector<16xf32>
    %swap3A_27 = arith.constant 64 : index
    %swap3A_28 = tpu.vector_load %arg6[%swap3A_27] {strides = array<i32>} : memref<128xf32, #tpu.memory_space<vmem>>, vector<16xf32>,
    %swap3A_29 = vector.shape_cast %swap3A_28 : vector<16xf32> to vector<16xf32>
    %swap3A_30 = vector.shape_cast %broadcast_in_dim3A_26 : vector<16xf32> to vector<16xf32>
    tpu.vector_store %arg6[%swap3A_27], %swap3A_30 {strides = array<i32>} : memref<128xf32, #tpu.memory_space<vmem>>, vector<16xf32>,
    %broadcast_in_dim3A_31 = arith.constant 1.000000e+00 : f32
    %broadcast_in_dim3A_32 = vector.broadcast %broadcast_in_dim3A_31 : f32 to vector<16xf32>
    %swap3A_33 = arith.constant 80 : index
    %swap3A_34 = tpu.vector_load %arg6[%swap3A_33] {strides = array<i32>} : memref<128xf32, #tpu.memory_space<vmem>>, vector<16xf32>,
    %swap3A_35 = vector.shape_cast %swap3A_34 : vector<16xf32> to vector<16xf32>
    %swap3A_36 = vector.shape_cast %broadcast_in_dim3A_32 : vector<16xf32> to vector<16xf32>
    tpu.vector_store %arg6[%swap3A_33], %swap3A_36 {strides = array<i32>} : memref<128xf32, #tpu.memory_space<vmem>>, vector<16xf32>,
    %broadcast_in_dim3A_37 = arith.constant 1.000000e+00 : f32
    %broadcast_in_dim3A_38 = vector.broadcast %broadcast_in_dim3A_37 : f32 to vector<16xf32>
    %swap3A_39 = arith.constant 96 : index
    %swap3A_40 = tpu.vector_load %arg6[%swap3A_39] {strides = array<i32>} : memref<128xf32, #tpu.memory_space<vmem>>, vector<16xf32>,
    %swap3A_41 = vector.shape_cast %swap3A_40 : vector<16xf32> to vector<16xf32>
    %swap3A_42 = vector.shape_cast %broadcast_in_dim3A_38 : vector<16xf32> to vector<16xf32>
    tpu.vector_store %arg6[%swap3A_39], %swap3A_42 {strides = array<i32>} : memref<128xf32, #tpu.memory_space<vmem>>, vector<16xf32>,
    %broadcast_in_dim3A_43 = arith.constant 1.000000e+00 : f32
    %broadcast_in_dim3A_44 = vector.broadcast %broadcast_in_dim3A_43 : f32 to vector<16xf32>
    %swap3A_45 = arith.constant 112 : index
    %swap3A_46 = tpu.vector_load %arg6[%swap3A_45] {strides = array<i32>} : memref<128xf32, #tpu.memory_space<vmem>>, vector<16xf32>,
    %swap3A_47 = vector.shape_cast %swap3A_46 : vector<16xf32> to vector<16xf32>
    %swap3A_48 = vector.shape_cast %broadcast_in_dim3A_44 : vector<16xf32> to vector<16xf32>
    tpu.vector_store %arg6[%swap3A_45], %swap3A_48 {strides = array<i32>} : memref<128xf32, #tpu.memory_space<vmem>>, vector<16xf32>,
    %barrier3A = arith.constant 0 : index
    tpu.barrier barrier_id(%barrier3A)
    %mul3A_49 = arith.constant 400 : i32
    %mul3A_50 = arith.muli %add3A, %mul3A_49 : i32
    %scan3A = arith.constant 0 : i32
    %scan3A_51 = arith.constant 0 : i32
    %scan3A_52 = arith.constant 25 : i32
    %scan3A_53 = arith.addi %scan3A_51, %scan3A_52 : i32
    %scan3A_54 = arith.constant 1 : i32
    scf.for %scan3A_62 = %scan3A_51 to %scan3A_53 step %scan3A_54  : i32 {
      %mul3A_63 = arith.constant 16 : i32
      %mul3A_64 = arith.muli %scan3A_62, %mul3A_63 : i32
      %add3A_65 = arith.addi %mul3A_50, %mul3A_64 : i32
      "tpu.region"() ({
        %run_scoped3A = tpu.sem_alloc : memref<!tpu.dma_semaphore, #tpu.memory_space<semaphore_mem>>
        %dma_start3A = arith.constant 0 : i32
        %dma_start3A_71 = tpu.memref_slice %arg2[%add3A_65, %dma_start3A] : memref<12800x128xi32, #tpu.memory_space<hbm>> -> memref<16x128xi32, #tpu.memory_space<hbm>>
        %dma_start3A_72 = arith.constant 0 : i32
        %dma_start3A_73 = tpu.memref_slice %arg2[%add3A_65, %dma_start3A_72] : memref<12800x128xi32, #tpu.memory_space<hbm>> -> memref<16x128xi32, #tpu.memory_space<hbm>>
        tpu.enqueue_dma source(%dma_start3A_73 : memref<16x128xi32, #tpu.memory_space<hbm>>) target(%arg5 : memref<16x128xi32, #tpu.memory_space<vmem>>) target_semaphore(%run_scoped3A : memref<!tpu.dma_semaphore, #tpu.memory_space<semaphore_mem>>)
        %dma_wait3A = arith.constant 0 : i32
        %dma_wait3A_74 = tpu.memref_slice %arg2[%add3A_65, %dma_wait3A] : memref<12800x128xi32, #tpu.memory_space<hbm>> -> memref<16x128xi32, #tpu.memory_space<hbm>>
        %dma_wait3A_75 = arith.constant 0 : i32
        %dma_wait3A_76 = tpu.memref_slice %arg2[%add3A_65, %dma_wait3A_75] : memref<12800x128xi32, #tpu.memory_space<hbm>> -> memref<16x128xi32, #tpu.memory_space<hbm>>
        tpu.wait_dma2 semaphore(%run_scoped3A : memref<!tpu.dma_semaphore, #tpu.memory_space<semaphore_mem>>) src(%dma_wait3A_76 : memref<16x128xi32, #tpu.memory_space<hbm>>) dst(%arg5 : memref<16x128xi32, #tpu.memory_space<vmem>>)
        tpu.yield
      }) : () -> ()
      %scan3A_66 = arith.constant 0 : i32
      %scan3A_67 = arith.constant 16 : i32
      %scan3A_68 = arith.addi %scan3A_66, %scan3A_67 : i32
      %scan3A_69 = arith.constant 1 : i32
      scf.for %scan3A_71 = %scan3A_66 to %scan3A_68 step %scan3A_69  : i32 {
        "tpu.region"() ({
          %run_scoped3A = tpu.sem_alloc : memref<!tpu.dma_semaphore, #tpu.memory_space<semaphore_mem>>
          %dma_start3A = arith.constant 0 : i32
          %dma_start3A_72 = tpu.memref_slice %arg5[%scan3A_71, %dma_start3A] : memref<16x128xi32, #tpu.memory_space<vmem>> -> memref<1x128xi32, #tpu.memory_space<vmem>>
          %dma_start3A_73 = tpu.memref_squeeze %dma_start3A_72 : memref<1x128xi32, #tpu.memory_space<vmem>> -> memref<128xi32, #tpu.memory_space<vmem>>
          %dma_start3A_74 = arith.constant 0 : i32
          %dma_start3A_75 = tpu.memref_slice %arg7[%dma_start3A_74] : memref<51200xf32, #tpu.memory_space<vmem_shared>> -> memref<51200xf32, #tpu.memory_space<vmem_shared>>
          tpu.enqueue_indirect_dma source(%arg6 : memref<128xf32, #tpu.memory_space<vmem>>) target(%dma_start3A_75 : memref<51200xf32, #tpu.memory_space<vmem_shared>>) offsets(%dma_start3A_73 : memref<128xi32, #tpu.memory_space<vmem>>) semaphore(%run_scoped3A : memref<!tpu.dma_semaphore, #tpu.memory_space<semaphore_mem>>) {add = true}
          %dma_wait3A = arith.constant 0 : i32
          %dma_wait3A_76 = tpu.memref_slice %arg5[%scan3A_71, %dma_wait3A] : memref<16x128xi32, #tpu.memory_space<vmem>> -> memref<1x128xi32, #tpu.memory_space<vmem>>
          %dma_wait3A_77 = tpu.memref_squeeze %dma_wait3A_76 : memref<1x128xi32, #tpu.memory_space<vmem>> -> memref<128xi32, #tpu.memory_space<vmem>>
          %dma_wait3A_78 = arith.constant 0 : i32
          %dma_wait3A_79 = tpu.memref_slice %arg7[%dma_wait3A_78] : memref<51200xf32, #tpu.memory_space<vmem_shared>> -> memref<51200xf32, #tpu.memory_space<vmem_shared>>
          tpu.wait_indirect_dma semaphore(%run_scoped3A : memref<!tpu.dma_semaphore, #tpu.memory_space<semaphore_mem>>) src(%arg6 : memref<128xf32, #tpu.memory_space<vmem>>) dst(%dma_wait3A_79 : memref<51200xf32, #tpu.memory_space<vmem_shared>>)
          tpu.yield
        }) : () -> ()
      }
      %scan3A_70 = arith.constant 16 : i32
    }
    %scan3A_55 = arith.constant 25 : i32
    %barrier3A_56 = arith.constant 0 : index
    tpu.barrier barrier_id(%barrier3A_56)
    %eq3A_57 = arith.constant 1 : i32
    %eq3A_58 = arith.cmpi eq, %arg1, %eq3A_57 : i32
    %convert_element_type3A_59 = arith.extui %eq3A_58 : i1 to i32
    %cond3A_60 = arith.constant 0 : i32
    %cond3A_61 = arith.cmpi ne, %convert_element_type3A_59, %cond3A_60 : i32
    scf.if %cond3A_61 {
      %mul3A_62 = arith.constant 51200 : i32
      %mul3A_63 = arith.muli %arg0, %mul3A_62 : i32
      "tpu.region"() ({
        %run_scoped3A = tpu.sem_alloc : memref<!tpu.dma_semaphore, #tpu.memory_space<semaphore_mem>>
        %dma_start3A = tpu.memref_slice %arg4[%mul3A_63] : memref<102400xf32, #tpu.memory_space<hbm>> -> memref<51200xf32, #tpu.memory_space<hbm>>
        tpu.enqueue_dma source(%arg7 : memref<51200xf32, #tpu.memory_space<vmem_shared>>) target(%dma_start3A : memref<51200xf32, #tpu.memory_space<hbm>>) target_semaphore(%run_scoped3A : memref<!tpu.dma_semaphore, #tpu.memory_space<semaphore_mem>>)
        %dma_wait3A = tpu.memref_slice %arg4[%mul3A_63] : memref<102400xf32, #tpu.memory_space<hbm>> -> memref<51200xf32, #tpu.memory_space<hbm>>
        tpu.wait_dma2 semaphore(%run_scoped3A : memref<!tpu.dma_semaphore, #tpu.memory_space<semaphore_mem>>) src(%arg7 : memref<51200xf32, #tpu.memory_space<vmem_shared>>) dst(%dma_wait3A : memref<51200xf32, #tpu.memory_space<hbm>>)
        tpu.yield
      }) : () -> ()
    } else {
    }
    return
  }
}

module attributes {stable_mosaic.version = 14 : i64} {
  func.func @_tc_prep_body(%arg0: memref<2x400x128xf32, #tpu.memory_space<vmem>>, %arg1: memref<3x400x128xf32, #tpu.memory_space<vmem>>, %arg2: memref<400x128xi32, #tpu.memory_space<vmem>>, %arg3: memref<3x400x128xf32, #tpu.memory_space<vmem>>, %arg4: memref<400x128xf32, #tpu.memory_space<vmem>>, %arg5: memref<400x128xi32, #tpu.memory_space<vmem>>) attributes {dimension_semantics = [], scalar_prefetch = 0 : i64, scratch_operands = 0 : i64, tpu.core_type = #tpu.core_type<tc>} {
    %get3A = arith.constant 0 : index
    %get3A_0 = arith.constant 0 : index
    %get3A_1 = arith.constant 0 : index
    %get3A_2 = vector.load %arg0[%get3A, %get3A_0, %get3A_1] : memref<2x400x128xf32, #tpu.memory_space<vmem>>, vector<1x400x128xf32>
    %get3A_3 = vector.shape_cast %get3A_2 : vector<1x400x128xf32> to vector<400x128xf32>
    %get3A_4 = arith.constant 1 : index
    %get3A_5 = arith.constant 0 : index
    %get3A_6 = arith.constant 0 : index
    %get3A_7 = vector.load %arg0[%get3A_4, %get3A_5, %get3A_6] : memref<2x400x128xf32, #tpu.memory_space<vmem>>, vector<1x400x128xf32>
    %get3A_8 = vector.shape_cast %get3A_7 : vector<1x400x128xf32> to vector<400x128xf32>
    %add3A = arith.addf %get3A_3, %get3A_8 : vector<400x128xf32>
    %add3A_9 = arith.constant 1.000000e+00 : f32
    %add3A_10 = vector.broadcast %add3A_9 : f32 to vector<400x128xf32>
    %add3A_11 = arith.addf %add3A, %add3A_10 : vector<400x128xf32>
    %iota3A = tpu.iota {dimensions = array<i32: 0>} : vector<400x128xi32>
    %mul3A = arith.constant 128 : i32
    %mul3A_12 = vector.broadcast %mul3A : i32 to vector<400x128xi32>
    %mul3A_13 = arith.muli %iota3A, %mul3A_12 : vector<400x128xi32>
    %iota3A_14 = tpu.iota {dimensions = array<i32: 1>} : vector<400x128xi32>
    %add3A_15 = arith.addi %mul3A_13, %iota3A_14 : vector<400x128xi32>
    %lt3A = arith.constant 50000 : i32
    %lt3A_16 = vector.broadcast %lt3A : i32 to vector<400x128xi32>
    %lt3A_17 = arith.cmpi slt, %add3A_15, %lt3A_16 : vector<400x128xi32>
    %rsqrt3A = math.rsqrt %add3A_11 : vector<400x128xf32>
    %jit3A = arith.constant 0.000000e+00 : f32
    %broadcast_in_dim3A = vector.broadcast %jit3A : f32 to vector<400x128xf32>
    %select_n3A = arith.select %lt3A_17, %rsqrt3A, %broadcast_in_dim3A : vector<400x128xi1>, vector<400x128xf32>
    %swap3A = arith.constant 0 : index
    %swap3A_18 = arith.constant 0 : index
    %swap3A_19 = vector.load %arg4[%swap3A, %swap3A_18] : memref<400x128xf32, #tpu.memory_space<vmem>>, vector<400x128xf32>
    tpu.vector_store %arg4[%swap3A, %swap3A_18], %select_n3A {strides = array<i32>} : memref<400x128xf32, #tpu.memory_space<vmem>>, vector<400x128xf32>,
    %get3A_20 = arith.constant 0 : index
    %get3A_21 = arith.constant 0 : index
    %get3A_22 = vector.load %arg2[%get3A_20, %get3A_21] : memref<400x128xi32, #tpu.memory_space<vmem>>, vector<400x128xi32>
    %mul3A_23 = arith.constant 50000 : i32
    %mul3A_24 = vector.broadcast %mul3A_23 : i32 to vector<400x128xi32>
    %mul3A_25 = arith.muli %get3A_22, %mul3A_24 : vector<400x128xi32>
    %swap3A_26 = arith.constant 0 : index
    %swap3A_27 = arith.constant 0 : index
    %swap3A_28 = vector.load %arg5[%swap3A_26, %swap3A_27] : memref<400x128xi32, #tpu.memory_space<vmem>>, vector<400x128xi32>
    tpu.vector_store %arg5[%swap3A_26, %swap3A_27], %mul3A_25 {strides = array<i32>} : memref<400x128xi32, #tpu.memory_space<vmem>>, vector<400x128xi32>,
    %get3A_29 = arith.constant 0 : index
    %get3A_30 = arith.constant 0 : index
    %get3A_31 = arith.constant 0 : index
    %get3A_32 = vector.load %arg1[%get3A_29, %get3A_30, %get3A_31] : memref<3x400x128xf32, #tpu.memory_space<vmem>>, vector<3x400x128xf32>
    %broadcast_in_dim3A_33 = vector.shape_cast %select_n3A : vector<400x128xf32> to vector<1x400x128xf32>
    %mul3A_34 = vector.broadcast %broadcast_in_dim3A_33 : vector<1x400x128xf32> to vector<3x400x128xf32>
    %mul3A_35 = arith.mulf %get3A_32, %mul3A_34 : vector<3x400x128xf32>
    %swap3A_36 = arith.constant 0 : index
    %swap3A_37 = arith.constant 0 : index
    %swap3A_38 = arith.constant 0 : index
    %swap3A_39 = vector.load %arg3[%swap3A_36, %swap3A_37, %swap3A_38] : memref<3x400x128xf32, #tpu.memory_space<vmem>>, vector<3x400x128xf32>
    tpu.vector_store %arg3[%swap3A_36, %swap3A_37, %swap3A_38], %mul3A_35 {strides = array<i32>} : memref<3x400x128xf32, #tpu.memory_space<vmem>>, vector<3x400x128xf32>,
    return
  }
}

module attributes {stable_mosaic.version = 14 : i64} {
  func.func @_tc_finish_body(%arg0: i32, %arg1: memref<2x3x6400xf32, #tpu.memory_space<vmem>>, %arg2: memref<3x6400xf32, #tpu.memory_space<vmem>>, %arg3: memref<1x6400xf32, #tpu.memory_space<vmem>>, %arg4: memref<2x16x6400xf32, #tpu.memory_space<vmem>>, %arg5: memref<1x6400xi32, #tpu.memory_space<vmem>>, %arg6: memref<32x3xf32, #tpu.memory_space<vmem>>, %arg7: memref<32x1xf32, #tpu.memory_space<vmem>>, %arg8: memref<32x32xf32, #tpu.memory_space<vmem>>, %arg9: memref<1x32xf32, #tpu.memory_space<vmem>>, %arg10: memref<32x256xf32, #tpu.memory_space<vmem>>, %arg11: memref<1x256xf32, #tpu.memory_space<vmem>>, %arg12: memref<16x256xf32, #tpu.memory_space<vmem>>, %arg13: memref<16x32xf32, #tpu.memory_space<vmem>>, %arg14: memref<16x1xf32, #tpu.memory_space<vmem>>) attributes {dimension_semantics = [#tpu.dimension_semantics<arbitrary>], iteration_bounds = array<i64: 8>, scalar_prefetch = 0 : i64, scratch_operands = 2 : i64, tpu.core_type = #tpu.core_type<tc>, window_params = [{transform_indices = @transform_0, window_bounds = array<i64: 2, 3, 6400>}, {transform_indices = @transform_1, window_bounds = array<i64: 3, 6400>}, {transform_indices = @transform_2, window_bounds = array<i64: 1, 6400>}, {transform_indices = @transform_3, window_bounds = array<i64: 2, 16, 6400>}, {transform_indices = @transform_4, window_bounds = array<i64: 1, 6400>}, {pipeline_mode = #tpu.pipeline_mode<synchronous>, transform_indices = @transform_5, window_bounds = array<i64: 32, 3>}, {pipeline_mode = #tpu.pipeline_mode<synchronous>, transform_indices = @transform_6, window_bounds = array<i64: 32, 1>}, {pipeline_mode = #tpu.pipeline_mode<synchronous>, transform_indices = @transform_7, window_bounds = array<i64: 32, 32>}, {pipeline_mode = #tpu.pipeline_mode<synchronous>, transform_indices = @transform_8, window_bounds = array<i64: 1, 32>}, {pipeline_mode = #tpu.pipeline_mode<synchronous>, transform_indices = @transform_9, window_bounds = array<i64: 32, 256>}, {pipeline_mode = #tpu.pipeline_mode<synchronous>, transform_indices = @transform_10, window_bounds = array<i64: 1, 256>}, {pipeline_mode = #tpu.pipeline_mode<synchronous>, transform_indices = @transform_11, window_bounds = array<i64: 16, 256>}]} {
    %get3A = arith.constant 0 : index
    %get3A_0 = arith.constant 0 : index
    %get3A_1 = vector.load %arg3[%get3A, %get3A_0] : memref<1x6400xf32, #tpu.memory_space<vmem>>, vector<1x6400xf32>
    %get3A_2 = arith.constant 0 : index
    %get3A_3 = arith.constant 0 : index
    %get3A_4 = arith.constant 0 : index
    %get3A_5 = vector.load %arg1[%get3A_2, %get3A_3, %get3A_4] : memref<2x3x6400xf32, #tpu.memory_space<vmem>>, vector<1x3x6400xf32>
    %get3A_6 = vector.shape_cast %get3A_5 : vector<1x3x6400xf32> to vector<3x6400xf32>
    %get3A_7 = arith.constant 1 : index
    %get3A_8 = arith.constant 0 : index
    %get3A_9 = arith.constant 0 : index
    %get3A_10 = vector.load %arg1[%get3A_7, %get3A_8, %get3A_9] : memref<2x3x6400xf32, #tpu.memory_space<vmem>>, vector<1x3x6400xf32>
    %get3A_11 = vector.shape_cast %get3A_10 : vector<1x3x6400xf32> to vector<3x6400xf32>
    %add3A = arith.addf %get3A_6, %get3A_11 : vector<3x6400xf32>
    %get3A_12 = arith.constant 0 : index
    %get3A_13 = arith.constant 0 : index
    %get3A_14 = vector.load %arg2[%get3A_12, %get3A_13] : memref<3x6400xf32, #tpu.memory_space<vmem>>, vector<3x6400xf32>
    %add3A_15 = arith.addf %add3A, %get3A_14 : vector<3x6400xf32>
    %mul3A = vector.broadcast %get3A_1 : vector<1x6400xf32> to vector<3x6400xf32>
    %mul3A_16 = arith.mulf %add3A_15, %mul3A : vector<3x6400xf32>
    %get3A_17 = arith.constant 0 : index
    %get3A_18 = arith.constant 0 : index
    %get3A_19 = vector.load %arg6[%get3A_17, %get3A_18] : memref<32x3xf32, #tpu.memory_space<vmem>>, vector<32x3xf32>
    %dot_general3A = arith.constant dense<0.000000e+00> : vector<32x6400xf32>
    %dot_general3A_20 = tpu.matmul %get3A_19, %mul3A_16, %dot_general3A {dimension_numbers = #tpu.dot_dimension_numbers<[1], [0], [0], [1], [0, 0, 1, 1], [], []>, transpose_lhs_hint = false} : vector<32x3xf32>, vector<3x6400xf32>, vector<32x6400xf32> -> vector<32x6400xf32>
    %get3A_21 = arith.constant 0 : index
    %get3A_22 = arith.constant 0 : index
    %get3A_23 = vector.load %arg7[%get3A_21, %get3A_22] : memref<32x1xf32, #tpu.memory_space<vmem>>, vector<32x1xf32>
    %add3A_24 = vector.broadcast %get3A_23 : vector<32x1xf32> to vector<32x6400xf32>
    %add3A_25 = arith.addf %dot_general3A_20, %add3A_24 : vector<32x6400xf32>
    %max3A = arith.constant 0.000000e+00 : f32
    %max3A_26 = vector.broadcast %max3A : f32 to vector<32x6400xf32>
    %max3A_27 = arith.maximumf %add3A_25, %max3A_26 : vector<32x6400xf32>
    %iota3A = tpu.iota {dimensions = array<i32: 0>} : vector<16x6400xi32>
    %get3A_28 = arith.constant 0 : index
    %get3A_29 = arith.constant 0 : index
    %get3A_30 = vector.load %arg5[%get3A_28, %get3A_29] : memref<1x6400xi32, #tpu.memory_space<vmem>>, vector<1x6400xi32>
    %eq3A = vector.broadcast %get3A_30 : vector<1x6400xi32> to vector<16x6400xi32>
    %eq3A_31 = arith.cmpi eq, %eq3A, %iota3A : vector<16x6400xi32>
    %convert_element_type3A = arith.extui %eq3A_31 : vector<16x6400xi1> to vector<16x6400xi32>
    %convert_element_type3A_32 = arith.sitofp %convert_element_type3A : vector<16x6400xi32> to vector<16x6400xf32>
    %get3A_33 = arith.constant 0 : index
    %get3A_34 = arith.constant 0 : index
    %get3A_35 = arith.constant 0 : index
    %get3A_36 = vector.load %arg4[%get3A_33, %get3A_34, %get3A_35] : memref<2x16x6400xf32, #tpu.memory_space<vmem>>, vector<1x16x6400xf32>
    %get3A_37 = vector.shape_cast %get3A_36 : vector<1x16x6400xf32> to vector<16x6400xf32>
    %get3A_38 = arith.constant 1 : index
    %get3A_39 = arith.constant 0 : index
    %get3A_40 = arith.constant 0 : index
    %get3A_41 = vector.load %arg4[%get3A_38, %get3A_39, %get3A_40] : memref<2x16x6400xf32, #tpu.memory_space<vmem>>, vector<1x16x6400xf32>
    %get3A_42 = vector.shape_cast %get3A_41 : vector<1x16x6400xf32> to vector<16x6400xf32>
    %add3A_43 = arith.addf %get3A_37, %get3A_42 : vector<16x6400xf32>
    %mul3A_44 = vector.broadcast %get3A_1 : vector<1x6400xf32> to vector<16x6400xf32>
    %mul3A_45 = arith.mulf %mul3A_44, %convert_element_type3A_32 : vector<16x6400xf32>
    %add3A_46 = arith.addf %add3A_43, %mul3A_45 : vector<16x6400xf32>
    %mul3A_47 = vector.broadcast %get3A_1 : vector<1x6400xf32> to vector<16x6400xf32>
    %mul3A_48 = arith.mulf %mul3A_47, %add3A_46 : vector<16x6400xf32>
    %dot_general3A_49 = arith.constant dense<0.000000e+00> : vector<16x32xf32>
    %dot_general3A_50 = tpu.matmul %mul3A_48, %max3A_27, %dot_general3A_49 {dimension_numbers = #tpu.dot_dimension_numbers<[1], [1], [0], [0], [0, 0, 1, 0], [], []>, transpose_lhs_hint = false} : vector<16x6400xf32>, vector<32x6400xf32>, vector<16x32xf32> -> vector<16x32xf32>
    %reduce_sum3A = arith.constant dense<0.000000e+00> : vector<16xf32>
    %reduce_sum3A_51 = vector.multi_reduction <add>, %convert_element_type3A_32, %reduce_sum3A [1] : vector<16x6400xf32> to vector<16xf32>
    %broadcast_in_dim3A = vector.shape_cast %reduce_sum3A_51 : vector<16xf32> to vector<16x1xf32>
    %eq3A_52 = arith.constant 0 : i32
    %eq3A_53 = arith.cmpi eq, %arg0, %eq3A_52 : i32
    %convert_element_type3A_54 = arith.extui %eq3A_53 : i1 to i32
    %cond3A = arith.constant 0 : i32
    %cond3A_55 = arith.cmpi ne, %convert_element_type3A_54, %cond3A : i32
    scf.if %cond3A_55 {
      %broadcast_in_dim3A_74 = arith.constant 0.000000e+00 : f32
      %broadcast_in_dim3A_75 = vector.broadcast %broadcast_in_dim3A_74 : f32 to vector<16x32xf32>
      %swap3A_76 = arith.constant 0 : index
      %swap3A_77 = arith.constant 0 : index
      %swap3A_78 = vector.load %arg13[%swap3A_76, %swap3A_77] : memref<16x32xf32, #tpu.memory_space<vmem>>, vector<16x32xf32>
      tpu.vector_store %arg13[%swap3A_76, %swap3A_77], %broadcast_in_dim3A_75 {strides = array<i32>} : memref<16x32xf32, #tpu.memory_space<vmem>>, vector<16x32xf32>,
      %broadcast_in_dim3A_79 = arith.constant 0.000000e+00 : f32
      %broadcast_in_dim3A_80 = vector.broadcast %broadcast_in_dim3A_79 : f32 to vector<16x1xf32>
      %swap3A_81 = arith.constant 0 : index
      %swap3A_82 = arith.constant 0 : index
      %swap3A_83 = vector.load %arg14[%swap3A_81, %swap3A_82] : memref<16x1xf32, #tpu.memory_space<vmem>>, vector<16x1xf32>
      tpu.vector_store %arg14[%swap3A_81, %swap3A_82], %broadcast_in_dim3A_80 {strides = array<i32>} : memref<16x1xf32, #tpu.memory_space<vmem>>, vector<16x1xf32>,
    } else {
    }
    %get3A_56 = arith.constant 0 : index
    %get3A_57 = arith.constant 0 : index
    %get3A_58 = vector.load %arg13[%get3A_56, %get3A_57] : memref<16x32xf32, #tpu.memory_space<vmem>>, vector<16x32xf32>
    %add3A_59 = arith.addf %get3A_58, %dot_general3A_50 : vector<16x32xf32>
    %swap3A = arith.constant 0 : index
    %swap3A_60 = arith.constant 0 : index
    %swap3A_61 = vector.load %arg13[%swap3A, %swap3A_60] : memref<16x32xf32, #tpu.memory_space<vmem>>, vector<16x32xf32>
    tpu.vector_store %arg13[%swap3A, %swap3A_60], %add3A_59 {strides = array<i32>} : memref<16x32xf32, #tpu.memory_space<vmem>>, vector<16x32xf32>,
    %get3A_62 = arith.constant 0 : index
    %get3A_63 = arith.constant 0 : index
    %get3A_64 = vector.load %arg14[%get3A_62, %get3A_63] : memref<16x1xf32, #tpu.memory_space<vmem>>, vector<16x1xf32>
    %add3A_65 = arith.addf %get3A_64, %broadcast_in_dim3A : vector<16x1xf32>
    %swap3A_66 = arith.constant 0 : index
    %swap3A_67 = arith.constant 0 : index
    %swap3A_68 = vector.load %arg14[%swap3A_66, %swap3A_67] : memref<16x1xf32, #tpu.memory_space<vmem>>, vector<16x1xf32>
    tpu.vector_store %arg14[%swap3A_66, %swap3A_67], %add3A_65 {strides = array<i32>} : memref<16x1xf32, #tpu.memory_space<vmem>>, vector<16x1xf32>,
    %eq3A_69 = arith.constant 7 : i32
    %eq3A_70 = arith.cmpi eq, %arg0, %eq3A_69 : i32
    %convert_element_type3A_71 = arith.extui %eq3A_70 : i1 to i32
    %cond3A_72 = arith.constant 0 : i32
    %cond3A_73 = arith.cmpi ne, %convert_element_type3A_71, %cond3A_72 : i32
    scf.if %cond3A_73 {
      %get3A_74 = arith.constant 0 : index
      %get3A_75 = arith.constant 0 : index
      %get3A_76 = vector.load %arg13[%get3A_74, %get3A_75] : memref<16x32xf32, #tpu.memory_space<vmem>>, vector<16x32xf32>
      %get3A_77 = arith.constant 0 : index
      %get3A_78 = arith.constant 0 : index
      %get3A_79 = vector.load %arg14[%get3A_77, %get3A_78] : memref<16x1xf32, #tpu.memory_space<vmem>>, vector<16x1xf32>
      %max3A_80 = arith.constant 1.000000e+00 : f32
      %max3A_81 = vector.broadcast %max3A_80 : f32 to vector<16x1xf32>
      %max3A_82 = arith.maximumf %get3A_79, %max3A_81 : vector<16x1xf32>
      %div3A = vector.broadcast %max3A_82 : vector<16x1xf32> to vector<16x32xf32>
      %div3A_83 = arith.divf %get3A_76, %div3A : vector<16x32xf32>
      %get3A_84 = arith.constant 0 : index
      %get3A_85 = arith.constant 0 : index
      %get3A_86 = vector.load %arg8[%get3A_84, %get3A_85] : memref<32x32xf32, #tpu.memory_space<vmem>>, vector<32x32xf32>
      %get3A_87 = arith.constant 0 : index
      %get3A_88 = arith.constant 0 : index
      %get3A_89 = vector.load %arg10[%get3A_87, %get3A_88] : memref<32x256xf32, #tpu.memory_space<vmem>>, vector<32x256xf32>
      %dot_general3A_90 = arith.constant dense<0.000000e+00> : vector<32x256xf32>
      %dot_general3A_91 = tpu.matmul %get3A_86, %get3A_89, %dot_general3A_90 {dimension_numbers = #tpu.dot_dimension_numbers<[1], [0], [0], [1], [0, 0, 1, 1], [], []>, transpose_lhs_hint = false} : vector<32x32xf32>, vector<32x256xf32>, vector<32x256xf32> -> vector<32x256xf32>
      %get3A_92 = arith.constant 0 : index
      %get3A_93 = arith.constant 0 : index
      %get3A_94 = vector.load %arg9[%get3A_92, %get3A_93] : memref<1x32xf32, #tpu.memory_space<vmem>>, vector<1x32xf32>
      %get3A_95 = arith.constant 0 : index
      %get3A_96 = arith.constant 0 : index
      %get3A_97 = vector.load %arg10[%get3A_95, %get3A_96] : memref<32x256xf32, #tpu.memory_space<vmem>>, vector<32x256xf32>
      %dot_general3A_98 = arith.constant dense<0.000000e+00> : vector<1x256xf32>
      %dot_general3A_99 = tpu.matmul %get3A_94, %get3A_97, %dot_general3A_98 {dimension_numbers = #tpu.dot_dimension_numbers<[1], [0], [0], [1], [0, 0, 1, 1], [], []>, transpose_lhs_hint = false} : vector<1x32xf32>, vector<32x256xf32>, vector<1x256xf32> -> vector<1x256xf32>
      %get3A_100 = arith.constant 0 : index
      %get3A_101 = arith.constant 0 : index
      %get3A_102 = vector.load %arg11[%get3A_100, %get3A_101] : memref<1x256xf32, #tpu.memory_space<vmem>>, vector<1x256xf32>
      %add3A_103 = arith.addf %dot_general3A_99, %get3A_102 : vector<1x256xf32>
      %dot_general3A_104 = arith.constant dense<0.000000e+00> : vector<16x256xf32>
      %dot_general3A_105 = tpu.matmul %div3A_83, %dot_general3A_91, %dot_general3A_104 {dimension_numbers = #tpu.dot_dimension_numbers<[1], [0], [0], [1], [0, 0, 1, 1], [], []>, transpose_lhs_hint = false} : vector<16x32xf32>, vector<32x256xf32>, vector<16x256xf32> -> vector<16x256xf32>
      %add3A_106 = vector.broadcast %add3A_103 : vector<1x256xf32> to vector<16x256xf32>
      %add3A_107 = arith.addf %dot_general3A_105, %add3A_106 : vector<16x256xf32>
      %swap3A_108 = arith.constant 0 : index
      %swap3A_109 = arith.constant 0 : index
      %swap3A_110 = vector.load %arg12[%swap3A_108, %swap3A_109] : memref<16x256xf32, #tpu.memory_space<vmem>>, vector<16x256xf32>
      tpu.vector_store %arg12[%swap3A_108, %swap3A_109], %add3A_107 {strides = array<i32>} : memref<16x256xf32, #tpu.memory_space<vmem>>, vector<16x256xf32>,
    } else {
    }
    return
  }
  func.func @transform_0(%arg0: i32) -> (i32, i32, i32) {
    %c0_i32 = arith.constant 0 : i32
    %c0_i32_0 = arith.constant 0 : i32
    %c0_i32_1 = arith.constant 0 : i32
    return %c0_i32, %c0_i32_0, %arg0 : i32, i32, i32
  }
  func.func @transform_1(%arg0: i32) -> (i32, i32) {
    %c0_i32 = arith.constant 0 : i32
    %c0_i32_0 = arith.constant 0 : i32
    return %c0_i32, %arg0 : i32, i32
  }
  func.func @transform_2(%arg0: i32) -> (i32, i32) {
    %c0_i32 = arith.constant 0 : i32
    %c0_i32_0 = arith.constant 0 : i32
    return %c0_i32, %arg0 : i32, i32
  }
  func.func @transform_3(%arg0: i32) -> (i32, i32, i32) {
    %c0_i32 = arith.constant 0 : i32
    %c0_i32_0 = arith.constant 0 : i32
    %c0_i32_1 = arith.constant 0 : i32
    return %c0_i32, %c0_i32_0, %arg0 : i32, i32, i32
  }
  func.func @transform_4(%arg0: i32) -> (i32, i32) {
    %c0_i32 = arith.constant 0 : i32
    %c0_i32_0 = arith.constant 0 : i32
    return %c0_i32, %arg0 : i32, i32
  }
  func.func @transform_5(%arg0: i32) -> (i32, i32) {
    %c0_i32 = arith.constant 0 : i32
    %c0_i32_0 = arith.constant 0 : i32
    %c0_i32_1 = arith.constant 0 : i32
    return %c0_i32, %c0_i32_0 : i32, i32
  }
  func.func @transform_6(%arg0: i32) -> (i32, i32) {
    %c0_i32 = arith.constant 0 : i32
    %c0_i32_0 = arith.constant 0 : i32
    %c0_i32_1 = arith.constant 0 : i32
    return %c0_i32, %c0_i32_0 : i32, i32
  }
  func.func @transform_7(%arg0: i32) -> (i32, i32) {
    %c0_i32 = arith.constant 0 : i32
    %c0_i32_0 = arith.constant 0 : i32
    %c0_i32_1 = arith.constant 0 : i32
    return %c0_i32, %c0_i32_0 : i32, i32
  }
  func.func @transform_8(%arg0: i32) -> (i32, i32) {
    %c0_i32 = arith.constant 0 : i32
    %c0_i32_0 = arith.constant 0 : i32
    %c0_i32_1 = arith.constant 0 : i32
    return %c0_i32, %c0_i32_0 : i32, i32
  }
  func.func @transform_9(%arg0: i32) -> (i32, i32) {
    %c0_i32 = arith.constant 0 : i32
    %c0_i32_0 = arith.constant 0 : i32
    %c0_i32_1 = arith.constant 0 : i32
    return %c0_i32, %c0_i32_0 : i32, i32
  }
  func.func @transform_10(%arg0: i32) -> (i32, i32) {
    %c0_i32 = arith.constant 0 : i32
    %c0_i32_0 = arith.constant 0 : i32
    %c0_i32_1 = arith.constant 0 : i32
    return %c0_i32, %c0_i32_0 : i32, i32
  }
  func.func @transform_11(%arg0: i32) -> (i32, i32) {
    %c0_i32 = arith.constant 0 : i32
    %c0_i32_0 = arith.constant 0 : i32
    %c0_i32_1 = arith.constant 0 : i32
    return %c0_i32, %c0_i32_0 : i32, i32
  }
}

</mosaic_0001>

<sc_bundles>
// kernel: kernel.6.cloned.1.call-start
scs
__scs_entry_jumppad:
0x0: {  	(pc) =	sbr.rel $0x88, $3  }
0x1: {  	(tag) =	ssettag $0x0;
	lr =	simm.s32 $0x1  }
0x2: {  	[smem:$0x3F98] =	sst lr;
	_ =	strace $0xD0000000  }
0x3: {  	_ = 	snop  }
0x4: {  	_ = 	snop  }
0x5: {  	_ = 	snop  }
0x6: {  	_ = 	snop  }
0x7: {  	_ = 	snop  }
__scs_overlays_trampoline_lowered:
0x8: {  	[smem:$0x3FA7] =	sst s0  }
0x9: {  	[smem:$0x3FA8] =	sst s1  }
0xa: {  	[smem:$0x3FA9] =	sst s2  }
0xb: {  	[smem:$0x3FAA] =	sst s3  }
0xc: {  	[smem:$0x3FAB] =	sst s4  }
0xd: {  	[smem:$0x3FAC] =	sst s5  }
0xe: {  	[smem:$0x3FAD] =	sst s6  }
0xf: {  	[smem:$0x3FAE] =	sst s7  }
0x10: {  	[smem:$0x3FAF] =	sst s8  }
0x11: {  	[smem:$0x3FB0] =	sst s9;
	s0 =	simm.s32 @!p0 $0x0  }
0x12: {  	s1 =	sld [smem:$0x3F96];
	s0 =	simm.s32 @p0 $0x1  }
0x13: {  	[smem:$0x3FB1] =	sst s0;
	s0 =	simm.s32 @!p1 $0x0  }
0x14: {  	s2 =	sld [smem:$0x3F95];
	s0 =	simm.s32 @p1 $0x1  }
0x15: {  	[smem:$0x3FB2] =	sst s0;
	s0 =	simm.s32 @!p2 $0x0  }
0x16: {  	s3 =	sld [smem:$0x3FDB];
	s0 =	simm.s32 @p2 $0x1  }
0x17: {  	s4 =	simm.s32 $0x1BF5;
	[smem:$0x3FB4] =	sst s0  }
0x18: {  	s0 =	sld [smem:$0x3F97];
	_ =	swait.ge [sflag:s4], $0x0  }
0x19: {  	s7 =	sld [smem:$0x3F98]  }
0x1a: {  	s8 =	sadd.s32 $0xFFFFE003, lr  }
0x1b: {  	s9 =	sadd.s32 $0xFFFFFEF7, lr;
	s5 =	simm.s32 $0xFFFFFFFF;
	p2 =	slt.u32 s8, $0xFFFFF086  }
0x1c: {  	p1 =	slt.u32 s9, $0xF7A;
	s5 =	simm.s32 @!p2 $0x0  }
0x1d: {  	s5 =	simm.s32 @p1 $0x1;
	p0 =	seq.s32 s7, s2  }
0x1e: {  	s7 =	smul.u32 @!p0 $0xF7A, s2;
	p2 =	seq.s32 @!p0 s5, $0x0  }
0x1f: {  	s9 =	smul.u32 $0xF7A, s1;
	s8 =	simm.s32 @!p0 $0x1BF5;
	p2 =	por !p2, p0  }
0x20: {  	[sflag:s8] =	ssyncset.s32 @!p0 $0xFFFFF086;
	s6 =	sadd.s32 @!p0 s3, s7;
	s7 =	simm.s32 @!p0 $0x108  }
0x21: {  	s3 =	sadd.s32 s3, s9;
	s6 =	sadd.s32 @!p0 $0x88, s6;
	s7 =	simm.s32 @p2 $0x1082  }
0x22: {  	[simem:s7], [sflag:s8] =	dma.local @!p0 [hbm:s6], $0xF7A  }
0x23: {  	s9 =	sor.u32 $0xD0000000, s2;
	s6 =	simm.s32 $0x108;
	_ =	swait.ge @!p0 [sflag:s8], $0x0  }
0x24: {  	s3 =	sadd.s32 $0x88, s3;
	s6 =	simm.s32 @!p1 $0x1082;
	[sflag:s4] =	ssyncset.s32 $0xFFFFF086  }
0x25: {  	[simem:s6], [sflag:s4] =	dma.local [hbm:s3], $0xF7A  }
0x26: {  	[smem:$0x3F98] =	sst s1;
	(tag) =	ssettag s2;
	_ =	strace s9  }
0x27: {  	s1 =	sld [smem:$0x3FA8]  }
0x28: {  	s2 =	sld [smem:$0x3FA9]  }
0x29: {  	s4 =	sld [smem:$0x3FAB]  }
0x2a: {  	p0 =	seq.s32 s5, $0x0;
	s5 =	sld [smem:$0x3FAC]  }
0x2b: {  	s6 =	sld [smem:$0x3FAD]  }
0x2c: {  	s7 =	sld [smem:$0x3FAE]  }
0x2d: {  	s3 =	simm.s32 $0x108;
	s8 =	sld [smem:$0x3FAF]  }
0x2e: {  	s3 =	simm.s32 @!p0 $0x1082;
	s9 =	sld [smem:$0x3FB0]  }
0x2f: {  	lr =	sadd.s32 s0, s3;
	s0 =	sld [smem:$0x3FA7]  }
0x30: {  	s3 =	sld [smem:$0x3FAA]  }
0x31: {  	[smem:$0x3FB3] =	sst s10  }
0x32: {  	s10 =	sld [smem:$0x3FB1];
	_ =	sdelay $0x3  }
0x33: {  	p0 =	seq.s32 s10, $0x1;
	s10 =	sld [smem:$0x3FB3];
	_ =	sdelay $0x3  }
0x34: {  	[smem:$0x3FB3] =	sst s10  }
0x35: {  	s10 =	sld [smem:$0x3FB2];
	_ =	sdelay $0x3  }
0x36: {  	p1 =	seq.s32 s10, $0x1;
	s10 =	sld [smem:$0x3FB3];
	_ =	sdelay $0x3  }
0x37: {  	[smem:$0x3FB3] =	sst s10  }
0x38: {  	s10 =	sld [smem:$0x3FB4]  }
0x39: {  	_ = 	snop;
	(pc) =	sbr.ind lr, $3  }
0x3a: {  	_ = 	snop  }
0x3b: {  	_ = 	snop  }
0x3c: {  	p2 =	seq.s32 s10, $0x1;
	s10 =	sld [smem:$0x3FB3]  }
0x3d: {  	_ =	shalt  }
0x3e: {  	_ =	shalt  }
0x3f: {  	_ =	shalt  }
0x40: {  	_ =	shalt  }
0x41: {  	_ =	shalt  }
0x42: {  	_ =	shalt  }
0x43: {  	_ =	shalt  }
0x44: {  	_ =	shalt  }
0x45: {  	_ =	shalt  }
0x46: {  	_ =	shalt  }
0x47: {  	_ =	shalt  }
0x48: {  	_ =	shalt  }
0x49: {  	_ =	shalt  }
0x4a: {  	_ =	shalt  }
0x4b: {  	_ =	shalt  }
0x4c: {  	_ =	shalt  }
0x4d: {  	_ =	shalt  }
0x4e: {  	_ =	shalt  }
0x4f: {  	_ =	shalt  }
0x50: {  	_ =	shalt  }
0x51: {  	_ =	shalt  }
0x52: {  	_ =	shalt  }
0x53: {  	_ =	shalt  }
0x54: {  	_ =	shalt  }
0x55: {  	_ =	shalt  }
0x56: {  	_ =	shalt  }
0x57: {  	_ =	shalt  }
0x58: {  	_ =	shalt  }
0x59: {  	_ =	shalt  }
0x5a: {  	_ =	shalt  }
0x5b: {  	_ =	shalt  }
0x5c: {  	_ =	shalt  }
0x5d: {  	_ =	shalt  }
0x5e: {  	_ =	shalt  }
0x5f: {  	_ =	shalt  }
0x60: {  	_ =	shalt  }
0x61: {  	_ =	shalt  }
0x62: {  	_ =	shalt  }
0x63: {  	_ =	shalt  }
0x64: {  	_ =	shalt  }
0x65: {  	_ =	shalt  }
0x66: {  	_ =	shalt  }
0x67: {  	_ =	shalt  }
0x68: {  	_ =	shalt  }
0x69: {  	_ =	shalt  }
0x6a: {  	_ =	shalt  }
0x6b: {  	_ =	shalt  }
0x6c: {  	_ =	shalt  }
0x6d: {  	_ =	shalt  }
0x6e: {  	_ =	shalt  }
0x6f: {  	_ =	shalt  }
0x70: {  	_ =	shalt  }
0x71: {  	_ =	shalt  }
0x72: {  	_ =	shalt  }
0x73: {  	_ =	shalt  }
0x74: {  	_ =	shalt  }
0x75: {  	_ =	shalt  }
0x76: {  	_ =	shalt  }
0x77: {  	_ =	shalt  }
0x78: {  	_ =	shalt  }
0x79: {  	_ =	shalt  }
0x7a: {  	_ =	shalt  }
0x7b: {  	_ =	shalt  }
0x7c: {  	_ =	shalt  }
0x7d: {  	_ =	shalt  }
0x7e: {  	_ =	shalt  }
0x7f: {  	_ =	shalt  }
0x80: {  	_ =	shalt  }
0x81: {  	_ =	shalt  }
0x82: {  	_ =	shalt  }
0x83: {  	_ =	shalt  }
0x84: {  	_ =	shalt  }
0x85: {  	_ =	shalt  }
0x86: {  	_ =	shalt  }
0x87: {  	_ =	shalt  }
.Lfunc_end0:
.L_simem_size_0:
called_computation_lowered:
.L_overlay_start_0:
0x88: {  	s2 =	sld [smem:$0x3FD9]  }
0x89: {  	s3 =	sld [smem:$0x3FFE];
	_ =	sdelay $0x1  }
0x8a: {  	s1 =	srdreg.scid  }
0x8b: {  	s0 =	sand.u32 $0x1, s1  }
0x8c: {  	s16 =	sshll.u32 s0, $0xA;
	s2 =	sadd.s32 s3, s2  }
0x8d: {  	s2 =	sadd.s32 s2, s16  }
0x8e: {  	[smem:$0x3FBF] =	sst s2  }
0x8f: {  	_ = 	snop  }
0x90: {  	(tm) =	ssettm $0x1  }
0x91: {  	s17 =	sld [smem:$0x3FFB];
	_ =	sdelay $0x3  }
0x92: {  	_ =	strace s17  }
0x93: {  	s2 =	sld [smem:$0x3FFC];
	_ =	sdelay $0x3  }
0x94: {  	_ =	strace s2  }
0x95: {  	s2 =	sld [smem:$0x3FFD];
	_ =	sdelay $0x3  }
0x96: {  	_ =	strace s2  }
0x97: {  	_ =	strace $0x8FFFFFFF  }
0x98: {  	s18 =	sld [smem:$0x3FDB];
	_ =	sdelay $0x1  }
0x99: {  	s19 =	simm.s32 $_scs_section_size  }
0x9a: {  	s4 =	simm.s32 $_size__tile_overlayer_lowered;
	s5 =	simm.s32 $_tile_overlayer_lowered  }
0x9b: {  	s22 =	simm.s32 $0x1BFF;
	s21 =	sshll.u32 s5, $0x1;
	s2 =	sadd.s32 s19, s18  }
0x9c: {  	s6 =	simm.s32 $0x0;
	s20 =	sshll.u32 s4, $0x1;
	s4 =	sadd.s32 s21, s2  }
0x9d: {  	[timem:s6], [sflag:s22] =	dma.local [hbm:s4], s20  }
0x9e: {  	_ =	swait.ge [sflag:s22], s20  }
0x9f: {  	s3 =	ssub.s32 $0x0, s20;
	[sflag:s22] =	ssyncset.done $0x0  }
0xa0: {  	[sflag:s22] =	ssyncadd.s32 s3;
	_ =	sdelay $0x1  }
0xa1: {  	s23 =	simm.s32 $0x1B8B  }
0xa2: {  	_ =	swait.ge [sflag:s23], $0x1  }
0xa3: {  	[sflag:s23] =	ssyncset.done $0x0  }
0xa4: {  	s25 =	simm.s32 $0x1B8E;
	s24 =	sld [smem:$0x3FFE];
	[sflag:s23] =	ssyncadd.s32 $0xFFFFFFFF  }
0xa5: {  	s26 =	simm.s32 $execute0_lowered;
	[smem:$0x3FD2] =	sst s25  }
0xa6: {  	s4 =	sshll.u32 s26, $0x1;
	_ =	strace $0x80000046;
	[dreg:$0x1] =	wrdreg $0xFFFFFFFF  }
0xa7: {  	s28 =	simm.s32 $_size_execute0_lowered;
	s2 =	sadd.s32 s2, s4;
	[dreg:$0x0] =	wrdreg $0x0  }
0xa8: {  	s4 =	sshll.u32 s28, $0x1;
	[dreg:$0x2] =	wrdreg s2  }
0xa9: {  	[dreg:$0x3] =	wrdreg s4  }
0xaa: {  	[dreg:$0x4] =	wrdreg $0xC0  }
0xab: {  	_ =	task [dreg:s6], $0x5FFFF  }
0xac: {  	[dreg:$0x1] =	wrdreg $0xFFFFFFFF  }
0xad: {  	[dreg:$0x0] =	wrdreg $0x60  }
0xae: {  	[dreg:$0x2] =	wrdreg s24  }
0xaf: {  	[dreg:$0x3] =	wrdreg $0x8800  }
0xb0: {  	[dreg:$0x4] =	wrdreg $0x9  }
0xb1: {  	_ =	task.clear_ibuf [dreg:s6], $0x5FFFF;
	_ =	strace $0x90000046  }
0xb2: {  	s29 =	simm.s32 $0x9;
	_ =	strace $0x80000048  }
0xb3: {  	_ =	swait.ge [sflag:s29], $0x1  }
0xb4: {  	[sflag:s29] =	ssyncadd.s32 $0xFFFFFFFF  }
0xb5: {  	_ =	strace $0x90000048  }
0xb6: {  	_ =	sfence  }
0xb7: {  	s30 =	sld [smem:$0x0];
	_ =	sdelay $0x2  }
0xb8: {  	s31 =	sshll.u32 s1, $0xD;
	s1 =	sshrl.u32 s1, $0x2  }
0xb9: {  	s3 =	sand.u32 $0x4000, s31;
	s1 =	sadd.s32 s1, s30  }
0xba: {  	s0 =	sor.u32 s3, s0;
	s1 =	sshll.u32 s1, $0x11  }
0xbb: {  	s0 =	sor.u32 s1, s0  }
0xbc: {  	s0 =	sadd.s32 $0x8F2B, s0  }
0xbd: {  	[sflag:s0] =	ssyncadd.remote.s32 $0x1  }
0xbe: {  	_ =	sfence.sel $0xFFFF  }
0xbf: {  	[dreg:$0x0] =	wrdreg $0xFFFFFFFF;
	(pc) =	sbr.abs _section_cstart, $3  }
0xc0: {  	[dreg:$0x1] =	wrdreg $0xFFFFFFFF  }
0xc1: {  	_ =	task.clear_ibuf [dreg:s6], $0x2FFFF;
	_ =	strace $0x9FFFFFFF  }
0xc2: {  	(tm) =	ssettm $0x7FFFFFFF  }
0xc3: {  	_ =	shalt  }
tec
execute0_lowered:
.L_overlay_start_1:
0x0: {  	(tag) =	ssettag $0x1  }
0x1: {  	s0 =	srdreg.scid  }
0x2: {  	s3 =	rddreg [dreg:$0x0];
	s24 =	stileid.u32  }
0x3: {  	s1 =	rddreg [dreg:$0x1];
	s2 =	simm.s32 $0x0;
	s8 =	simm.s32 $0x1  }
0x4: {  	s9 =	simm.s32 $0x80;
	s10 =	simm.s32 $0x800;
	s11 =	simm.s32 $0x100  }
0x5: {  	s12 =	simm.s32 $0x180;
	s13 =	simm.s32 $0x200;
	s14 =	simm.s32 $0x280  }
0x6: {  	s15 =	simm.s32 $0x300;
	s16 =	simm.s32 $0x380;
	s17 =	simm.s32 $0x400  }
0x7: {  	s18 =	simm.s32 $0x480;
	s19 =	simm.s32 $0x500;
	s20 =	simm.s32 $0x580  }
0x8: {  	s21 =	simm.s32 $0x600;
	s22 =	simm.s32 $0x680;
	s23 =	simm.s32 $0x700  }
0x9: {  	s26 =	simm.s32 $0x0;
	s4 =	sand.u32 $0x1, s0;
	s0 =	rddreg [dreg:$0x2]  }
0xa: {  	s6 =	smul.u32 $0xC800, s24;
	[smem:$0x7FF] =	sst s2;
	p0 =	sne.s32 s24, $0x0  }
0xb: {  	p1 =	sne.s32 s24, $0x1;
	s24 =	simm.s32 $0x780;
	s5 =	smul.u32 $0xC8000, s4  }
0xc: {  	s29 =	smul.u32 $0x1900, s4;
	_ =	strace $0x80000047;
	s4 =	ssub.s32 $0x2, s4  }
0xd: {  	s25 =	sshrl.u32 @!p1 s1, $0x3;
	s31 =	sshrl.u32 s4, $0x1;
	s5 =	sadd.s32 s6, s5  }
0xe: {  	s30 =	sadd.s32 s29, s3;
	s6 =	ssub.s32 s4, s31;
	s5 =	sshrl.u32 s5, $0x3  }
0xf: {  	s4 =	sadd.s32 $0x68000, s30;
	s7 =	sadd.s32 s5, s3;
	s3 =	sadd.s32 $0x66600, s3  }
0x10: {  	v0 =	vimm.f32 $1.000000000e+00;
	s5 =	smax.u32 s6, $0x1;
	s6 =	sadd.s32 $0x2600, s7;
	s7 =	sshrl.u32 @!p0 s1, $0x3  }
.LBB2_1:
0x11: {  	s28 =	simm.s32 @!p0 $0x1C01  }
0x12: {  	[spmem:s7], [sflag:s28] =	dma.local @!p0 [hbm:s3], $0x1900  }
0x13: {  	s28 =	simm.s32 @!p0 $0x1  }
0x14: {  	_ =	swait.ge @!p0 [sflag:s28], $0x1900  }
0x15: {  	[sflag:s28] =	ssyncset.done @!p0 $0x0  }
0x16: {  	[sflag:s28] =	ssyncadd.s32 @!p0 $0xFFFFE700  }
0x17: {  	[tilespmem:$0x800] =	vst v0  }
0x18: {  	[tilespmem:$0x810] =	vst v0  }
0x19: {  	[tilespmem:$0x820] =	vst v0  }
0x1a: {  	[tilespmem:$0x830] =	vst v0  }
0x1b: {  	[tilespmem:$0x840] =	vst v0  }
0x1c: {  	[tilespmem:$0x850] =	vst v0  }
0x1d: {  	[tilespmem:$0x860] =	vst v0  }
0x1e: {  	[tilespmem:$0x870] =	vst v0  }
0x1f: {  	s28 =	sadd.s32 $0x0, s6;
	[bflag:$0x0] =	sbarrier.arrive $0xFFFF  }
0x20: {  	[tilespmem:s2], [sflag:$0x1] =	stream.linear.gather [hbm4b:s28+s2], $0x800, $0x38;
	[tilespmem:$0x1500] =	vst v63  }
0x21: {  	_ =	swait.ge [sflag:s8], $0x800  }
0x22: {  	[sflag:s8] =	ssyncset.done $0x0  }
0x23: {  	[sflag:s8] =	ssyncadd.s32 $0xFFFFF800  }
0x24: {  	[spmem:s1] =	stream.indirect.scatter.add.f32 [tilespmem:s10], [sflag:$0x1], $0x1, s2, s9, $0xb8;
	[tilespmem:$0x1500] =	vst v63  }
0x25: {  	_ =	swait.ge [sflag:s8], $0x80  }
0x26: {  	[sflag:s8] =	ssyncset.done $0x0  }
0x27: {  	[sflag:s8] =	ssyncadd.s32 $0xFFFFFF80  }
0x28: {  	[spmem:s1] =	stream.indirect.scatter.add.f32 [tilespmem:s10], [sflag:$0x1], $0x1, s9, s9, $0xb8;
	[tilespmem:$0x1500] =	vst v63  }
0x29: {  	_ =	swait.ge [sflag:s8], $0x80  }
0x2a: {  	[sflag:s8] =	ssyncset.done $0x0  }
0x2b: {  	[sflag:s8] =	ssyncadd.s32 $0xFFFFFF80  }
0x2c: {  	[spmem:s1] =	stream.indirect.scatter.add.f32 [tilespmem:s10], [sflag:$0x1], $0x1, s11, s9, $0xb8;
	[tilespmem:$0x1500] =	vst v63  }
0x2d: {  	_ =	swait.ge [sflag:s8], $0x80  }
0x2e: {  	[sflag:s8] =	ssyncset.done $0x0  }
0x2f: {  	[sflag:s8] =	ssyncadd.s32 $0xFFFFFF80  }
0x30: {  	[spmem:s1] =	stream.indirect.scatter.add.f32 [tilespmem:s10], [sflag:$0x1], $0x1, s12, s9, $0xb8;
	[tilespmem:$0x1500] =	vst v63  }
0x31: {  	_ =	swait.ge [sflag:s8], $0x80  }
0x32: {  	[sflag:s8] =	ssyncset.done $0x0  }
0x33: {  	[sflag:s8] =	ssyncadd.s32 $0xFFFFFF80  }
0x34: {  	[spmem:s1] =	stream.indirect.scatter.add.f32 [tilespmem:s10], [sflag:$0x1], $0x1, s13, s9, $0xb8;
	[tilespmem:$0x1500] =	vst v63  }
0x35: {  	_ =	swait.ge [sflag:s8], $0x80  }
0x36: {  	[sflag:s8] =	ssyncset.done $0x0  }
0x37: {  	[sflag:s8] =	ssyncadd.s32 $0xFFFFFF80  }
0x38: {  	[spmem:s1] =	stream.indirect.scatter.add.f32 [tilespmem:s10], [sflag:$0x1], $0x1, s14, s9, $0xb8;
	[tilespmem:$0x1500] =	vst v63  }
0x39: {  	_ =	swait.ge [sflag:s8], $0x80  }
0x3a: {  	[sflag:s8] =	ssyncset.done $0x0  }
0x3b: {  	[sflag:s8] =	ssyncadd.s32 $0xFFFFFF80  }
0x3c: {  	[spmem:s1] =	stream.indirect.scatter.add.f32 [tilespmem:s10], [sflag:$0x1], $0x1, s15, s9, $0xb8;
	[tilespmem:$0x1500] =	vst v63  }
0x3d: {  	_ =	swait.ge [sflag:s8], $0x80  }
0x3e: {  	[sflag:s8] =	ssyncset.done $0x0  }
0x3f: {  	[sflag:s8] =	ssyncadd.s32 $0xFFFFFF80  }
0x40: {  	[spmem:s1] =	stream.indirect.scatter.add.f32 [tilespmem:s10], [sflag:$0x1], $0x1, s16, s9, $0xb8;
	[tilespmem:$0x1500] =	vst v63  }
0x41: {  	_ =	swait.ge [sflag:s8], $0x80  }
0x42: {  	[sflag:s8] =	ssyncset.done $0x0  }
0x43: {  	[sflag:s8] =	ssyncadd.s32 $0xFFFFFF80  }
0x44: {  	[spmem:s1] =	stream.indirect.scatter.add.f32 [tilespmem:s10], [sflag:$0x1], $0x1, s17, s9, $0xb8;
	[tilespmem:$0x1500] =	vst v63  }
0x45: {  	_ =	swait.ge [sflag:s8], $0x80  }
0x46: {  	[sflag:s8] =	ssyncset.done $0x0  }
0x47: {  	[sflag:s8] =	ssyncadd.s32 $0xFFFFFF80  }
0x48: {  	[spmem:s1] =	stream.indirect.scatter.add.f32 [tilespmem:s10], [sflag:$0x1], $0x1, s18, s9, $0xb8;
	[tilespmem:$0x1500] =	vst v63  }
0x49: {  	_ =	swait.ge [sflag:s8], $0x80  }
0x4a: {  	[sflag:s8] =	ssyncset.done $0x0  }
0x4b: {  	[sflag:s8] =	ssyncadd.s32 $0xFFFFFF80  }
0x4c: {  	[spmem:s1] =	stream.indirect.scatter.add.f32 [tilespmem:s10], [sflag:$0x1], $0x1, s19, s9, $0xb8;
	[tilespmem:$0x1500] =	vst v63  }
0x4d: {  	_ =	swait.ge [sflag:s8], $0x80  }
0x4e: {  	[sflag:s8] =	ssyncset.done $0x0  }
0x4f: {  	[sflag:s8] =	ssyncadd.s32 $0xFFFFFF80  }
0x50: {  	[spmem:s1] =	stream.indirect.scatter.add.f32 [tilespmem:s10], [sflag:$0x1], $0x1, s20, s9, $0xb8;
	[tilespmem:$0x1500] =	vst v63  }
0x51: {  	_ =	swait.ge [sflag:s8], $0x80  }
0x52: {  	[sflag:s8] =	ssyncset.done $0x0  }
0x53: {  	[sflag:s8] =	ssyncadd.s32 $0xFFFFFF80  }
0x54: {  	[spmem:s1] =	stream.indirect.scatter.add.f32 [tilespmem:s10], [sflag:$0x1], $0x1, s21, s9, $0xb8;
	[tilespmem:$0x1500] =	vst v63  }
0x55: {  	_ =	swait.ge [sflag:s8], $0x80  }
0x56: {  	[sflag:s8] =	ssyncset.done $0x0  }
0x57: {  	[sflag:s8] =	ssyncadd.s32 $0xFFFFFF80  }
0x58: {  	[spmem:s1] =	stream.indirect.scatter.add.f32 [tilespmem:s10], [sflag:$0x1], $0x1, s22, s9, $0xb8;
	[tilespmem:$0x1500] =	vst v63  }
0x59: {  	_ =	swait.ge [sflag:s8], $0x80  }
0x5a: {  	[sflag:s8] =	ssyncset.done $0x0  }
0x5b: {  	[sflag:s8] =	ssyncadd.s32 $0xFFFFFF80  }
0x5c: {  	[spmem:s1] =	stream.indirect.scatter.add.f32 [tilespmem:s10], [sflag:$0x1], $0x1, s23, s9, $0xb8;
	[tilespmem:$0x1500] =	vst v63  }
0x5d: {  	_ =	swait.ge [sflag:s8], $0x80  }
0x5e: {  	[sflag:s8] =	ssyncset.done $0x0  }
0x5f: {  	[sflag:s8] =	ssyncadd.s32 $0xFFFFFF80  }
0x60: {  	[spmem:s1] =	stream.indirect.scatter.add.f32 [tilespmem:s10], [sflag:$0x1], $0x1, s24, s9, $0xb8;
	[tilespmem:$0x1500] =	vst v63  }
0x61: {  	_ =	swait.ge [sflag:s8], $0x80  }
0x62: {  	s30 =	simm.s32 $0x200;
	s28 =	simm.s32 $0x100;
	[sflag:s8] =	ssyncset.done $0x0  }
.LBB2_2:
0x63: {  	s31 =	sadd.s32 s28, s6  }
0x64: {  	[sflag:s8] =	ssyncadd.s32 $0xFFFFFF80;
	s28 =	smov.u32 s30;
	s29 =	sadd.s32 $0x100, s30  }
0x65: {  	[tilespmem:s2], [sflag:$0x1] =	stream.linear.gather [hbm4b:s31+s2], $0x800, $0x38;
	[tilespmem:$0x1500] =	vst v63  }
0x66: {  	p2 =	sne.s32 s30, $0x1800;
	_ =	swait.ge [sflag:s8], $0x800  }
0x67: {  	[sflag:s8] =	ssyncset.done $0x0  }
0x68: {  	[sflag:s8] =	ssyncadd.s32 $0xFFFFF800  }
0x69: {  	[spmem:s1] =	stream.indirect.scatter.add.f32 [tilespmem:s10], [sflag:$0x1], $0x1, s2, s9, $0xb8;
	[tilespmem:$0x1500] =	vst v63  }
0x6a: {  	_ =	swait.ge [sflag:s8], $0x80  }
0x6b: {  	[sflag:s8] =	ssyncset.done $0x0  }
0x6c: {  	[sflag:s8] =	ssyncadd.s32 $0xFFFFFF80  }
0x6d: {  	[spmem:s1] =	stream.indirect.scatter.add.f32 [tilespmem:s10], [sflag:$0x1], $0x1, s9, s9, $0xb8;
	[tilespmem:$0x1500] =	vst v63  }
0x6e: {  	_ =	swait.ge [sflag:s8], $0x80  }
0x6f: {  	[sflag:s8] =	ssyncset.done $0x0  }
0x70: {  	[sflag:s8] =	ssyncadd.s32 $0xFFFFFF80  }
0x71: {  	[spmem:s1] =	stream.indirect.scatter.add.f32 [tilespmem:s10], [sflag:$0x1], $0x1, s11, s9, $0xb8;
	[tilespmem:$0x1500] =	vst v63  }
0x72: {  	_ =	swait.ge [sflag:s8], $0x80  }
0x73: {  	[sflag:s8] =	ssyncset.done $0x0  }
0x74: {  	[sflag:s8] =	ssyncadd.s32 $0xFFFFFF80  }
0x75: {  	[spmem:s1] =	stream.indirect.scatter.add.f32 [tilespmem:s10], [sflag:$0x1], $0x1, s12, s9, $0xb8;
	[tilespmem:$0x1500] =	vst v63  }
0x76: {  	_ =	swait.ge [sflag:s8], $0x80  }
0x77: {  	[sflag:s8] =	ssyncset.done $0x0  }
0x78: {  	[sflag:s8] =	ssyncadd.s32 $0xFFFFFF80  }
0x79: {  	[spmem:s1] =	stream.indirect.scatter.add.f32 [tilespmem:s10], [sflag:$0x1], $0x1, s13, s9, $0xb8;
	[tilespmem:$0x1500] =	vst v63  }
0x7a: {  	_ =	swait.ge [sflag:s8], $0x80  }
0x7b: {  	[sflag:s8] =	ssyncset.done $0x0  }
0x7c: {  	[sflag:s8] =	ssyncadd.s32 $0xFFFFFF80  }
0x7d: {  	[spmem:s1] =	stream.indirect.scatter.add.f32 [tilespmem:s10], [sflag:$0x1], $0x1, s14, s9, $0xb8;
	[tilespmem:$0x1500] =	vst v63  }
0x7e: {  	_ =	swait.ge [sflag:s8], $0x80  }
0x7f: {  	[sflag:s8] =	ssyncset.done $0x0  }
0x80: {  	[sflag:s8] =	ssyncadd.s32 $0xFFFFFF80  }
0x81: {  	[spmem:s1] =	stream.indirect.scatter.add.f32 [tilespmem:s10], [sflag:$0x1], $0x1, s15, s9, $0xb8;
	[tilespmem:$0x1500] =	vst v63  }
0x82: {  	_ =	swait.ge [sflag:s8], $0x80  }
0x83: {  	[sflag:s8] =	ssyncset.done $0x0  }
0x84: {  	[sflag:s8] =	ssyncadd.s32 $0xFFFFFF80  }
0x85: {  	[spmem:s1] =	stream.indirect.scatter.add.f32 [tilespmem:s10], [sflag:$0x1], $0x1, s16, s9, $0xb8;
	[tilespmem:$0x1500] =	vst v63  }
0x86: {  	_ =	swait.ge [sflag:s8], $0x80  }
0x87: {  	[sflag:s8] =	ssyncset.done $0x0  }
0x88: {  	[sflag:s8] =	ssyncadd.s32 $0xFFFFFF80  }
0x89: {  	[spmem:s1] =	stream.indirect.scatter.add.f32 [tilespmem:s10], [sflag:$0x1], $0x1, s17, s9, $0xb8;
	[tilespmem:$0x1500] =	vst v63  }
0x8a: {  	_ =	swait.ge [sflag:s8], $0x80  }
0x8b: {  	[sflag:s8] =	ssyncset.done $0x0  }
0x8c: {  	[sflag:s8] =	ssyncadd.s32 $0xFFFFFF80  }
0x8d: {  	[spmem:s1] =	stream.indirect.scatter.add.f32 [tilespmem:s10], [sflag:$0x1], $0x1, s18, s9, $0xb8;
	[tilespmem:$0x1500] =	vst v63  }
0x8e: {  	_ =	swait.ge [sflag:s8], $0x80  }
0x8f: {  	[sflag:s8] =	ssyncset.done $0x0  }
0x90: {  	[sflag:s8] =	ssyncadd.s32 $0xFFFFFF80  }
0x91: {  	[spmem:s1] =	stream.indirect.scatter.add.f32 [tilespmem:s10], [sflag:$0x1], $0x1, s19, s9, $0xb8;
	[tilespmem:$0x1500] =	vst v63  }
0x92: {  	_ =	swait.ge [sflag:s8], $0x80  }
0x93: {  	[sflag:s8] =	ssyncset.done $0x0  }
0x94: {  	[sflag:s8] =	ssyncadd.s32 $0xFFFFFF80  }
0x95: {  	[spmem:s1] =	stream.indirect.scatter.add.f32 [tilespmem:s10], [sflag:$0x1], $0x1, s20, s9, $0xb8;
	[tilespmem:$0x1500] =	vst v63  }
0x96: {  	_ =	swait.ge [sflag:s8], $0x80  }
0x97: {  	[sflag:s8] =	ssyncset.done $0x0  }
0x98: {  	[sflag:s8] =	ssyncadd.s32 $0xFFFFFF80  }
0x99: {  	[spmem:s1] =	stream.indirect.scatter.add.f32 [tilespmem:s10], [sflag:$0x1], $0x1, s21, s9, $0xb8;
	[tilespmem:$0x1500] =	vst v63  }
0x9a: {  	_ =	swait.ge [sflag:s8], $0x80  }
0x9b: {  	[sflag:s8] =	ssyncset.done $0x0  }
0x9c: {  	[sflag:s8] =	ssyncadd.s32 $0xFFFFFF80  }
0x9d: {  	[spmem:s1] =	stream.indirect.scatter.add.f32 [tilespmem:s10], [sflag:$0x1], $0x1, s22, s9, $0xb8;
	[tilespmem:$0x1500] =	vst v63  }
0x9e: {  	_ =	swait.ge [sflag:s8], $0x80  }
0x9f: {  	[sflag:s8] =	ssyncset.done $0x0  }
0xa0: {  	[sflag:s8] =	ssyncadd.s32 $0xFFFFFF80  }
0xa1: {  	[spmem:s1] =	stream.indirect.scatter.add.f32 [tilespmem:s10], [sflag:$0x1], $0x1, s23, s9, $0xb8;
	[tilespmem:$0x1500] =	vst v63  }
0xa2: {  	_ =	swait.ge [sflag:s8], $0x80  }
.Ltmp0:
0xa3: {  	[sflag:s8] =	ssyncset.done $0x0;
	(pc) =	sbr.rel @p2 .LBB2_2-.Ltmp0, $4  }
0xa4: {  	[sflag:s8] =	ssyncadd.s32 $0xFFFFFF80  }
0xa5: {  	[spmem:s1] =	stream.indirect.scatter.add.f32 [tilespmem:s10], [sflag:$0x1], $0x1, s24, s9, $0xb8;
	[tilespmem:$0x1500] =	vst v63  }
0xa6: {  	_ =	swait.ge [sflag:s8], $0x80  }
0xa7: {  	s30 =	smov.u32 s29;
	[sflag:s8] =	ssyncset.done $0x0  }
0xa8: {  	s28 =	sadd.s32 s28, s6;
	[sflag:s8] =	ssyncadd.s32 $0xFFFFFF80  }
0xa9: {  	[tilespmem:s2], [sflag:$0x1] =	stream.linear.gather [hbm4b:s28+s2], $0x800, $0x38;
	[tilespmem:$0x1500] =	vst v63  }
0xaa: {  	_ =	swait.ge [sflag:s8], $0x800  }
0xab: {  	[sflag:s8] =	ssyncset.done $0x0  }
0xac: {  	[sflag:s8] =	ssyncadd.s32 $0xFFFFF800  }
0xad: {  	[spmem:s1] =	stream.indirect.scatter.add.f32 [tilespmem:s10], [sflag:$0x1], $0x1, s2, s9, $0xb8;
	[tilespmem:$0x1500] =	vst v63  }
0xae: {  	_ =	swait.ge [sflag:s8], $0x80  }
0xaf: {  	[sflag:s8] =	ssyncset.done $0x0  }
0xb0: {  	[sflag:s8] =	ssyncadd.s32 $0xFFFFFF80  }
0xb1: {  	[spmem:s1] =	stream.indirect.scatter.add.f32 [tilespmem:s10], [sflag:$0x1], $0x1, s9, s9, $0xb8;
	[tilespmem:$0x1500] =	vst v63  }
0xb2: {  	_ =	swait.ge [sflag:s8], $0x80  }
0xb3: {  	[sflag:s8] =	ssyncset.done $0x0  }
0xb4: {  	[sflag:s8] =	ssyncadd.s32 $0xFFFFFF80  }
0xb5: {  	[spmem:s1] =	stream.indirect.scatter.add.f32 [tilespmem:s10], [sflag:$0x1], $0x1, s11, s9, $0xb8;
	[tilespmem:$0x1500] =	vst v63  }
0xb6: {  	_ =	swait.ge [sflag:s8], $0x80  }
0xb7: {  	[sflag:s8] =	ssyncset.done $0x0  }
0xb8: {  	[sflag:s8] =	ssyncadd.s32 $0xFFFFFF80  }
0xb9: {  	[spmem:s1] =	stream.indirect.scatter.add.f32 [tilespmem:s10], [sflag:$0x1], $0x1, s12, s9, $0xb8;
	[tilespmem:$0x1500] =	vst v63  }
0xba: {  	_ =	swait.ge [sflag:s8], $0x80  }
0xbb: {  	[sflag:s8] =	ssyncset.done $0x0  }
0xbc: {  	[sflag:s8] =	ssyncadd.s32 $0xFFFFFF80  }
0xbd: {  	[spmem:s1] =	stream.indirect.scatter.add.f32 [tilespmem:s10], [sflag:$0x1], $0x1, s13, s9, $0xb8;
	[tilespmem:$0x1500] =	vst v63  }
0xbe: {  	_ =	swait.ge [sflag:s8], $0x80  }
0xbf: {  	[sflag:s8] =	ssyncset.done $0x0  }
0xc0: {  	[sflag:s8] =	ssyncadd.s32 $0xFFFFFF80  }
0xc1: {  	[spmem:s1] =	stream.indirect.scatter.add.f32 [tilespmem:s10], [sflag:$0x1], $0x1, s14, s9, $0xb8;
	[tilespmem:$0x1500] =	vst v63  }
0xc2: {  	_ =	swait.ge [sflag:s8], $0x80  }
0xc3: {  	[sflag:s8] =	ssyncset.done $0x0  }
0xc4: {  	[sflag:s8] =	ssyncadd.s32 $0xFFFFFF80  }
0xc5: {  	[spmem:s1] =	stream.indirect.scatter.add.f32 [tilespmem:s10], [sflag:$0x1], $0x1, s15, s9, $0xb8;
	[tilespmem:$0x1500] =	vst v63  }
0xc6: {  	_ =	swait.ge [sflag:s8], $0x80  }
0xc7: {  	[sflag:s8] =	ssyncset.done $0x0  }
0xc8: {  	[sflag:s8] =	ssyncadd.s32 $0xFFFFFF80  }
0xc9: {  	[spmem:s1] =	stream.indirect.scatter.add.f32 [tilespmem:s10], [sflag:$0x1], $0x1, s16, s9, $0xb8;
	[tilespmem:$0x1500] =	vst v63  }
0xca: {  	_ =	swait.ge [sflag:s8], $0x80  }
0xcb: {  	[sflag:s8] =	ssyncset.done $0x0  }
0xcc: {  	[sflag:s8] =	ssyncadd.s32 $0xFFFFFF80  }
0xcd: {  	[spmem:s1] =	stream.indirect.scatter.add.f32 [tilespmem:s10], [sflag:$0x1], $0x1, s17, s9, $0xb8;
	[tilespmem:$0x1500] =	vst v63  }
0xce: {  	_ =	swait.ge [sflag:s8], $0x80  }
0xcf: {  	[sflag:s8] =	ssyncset.done $0x0  }
0xd0: {  	[sflag:s8] =	ssyncadd.s32 $0xFFFFFF80  }
0xd1: {  	[spmem:s1] =	stream.indirect.scatter.add.f32 [tilespmem:s10], [sflag:$0x1], $0x1, s18, s9, $0xb8;
	[tilespmem:$0x1500] =	vst v63  }
0xd2: {  	_ =	swait.ge [sflag:s8], $0x80  }
0xd3: {  	[sflag:s8] =	ssyncset.done $0x0  }
0xd4: {  	[sflag:s8] =	ssyncadd.s32 $0xFFFFFF80  }
0xd5: {  	[spmem:s1] =	stream.indirect.scatter.add.f32 [tilespmem:s10], [sflag:$0x1], $0x1, s19, s9, $0xb8;
	[tilespmem:$0x1500] =	vst v63  }
0xd6: {  	_ =	swait.ge [sflag:s8], $0x80  }
0xd7: {  	[sflag:s8] =	ssyncset.done $0x0  }
0xd8: {  	[sflag:s8] =	ssyncadd.s32 $0xFFFFFF80  }
0xd9: {  	[spmem:s1] =	stream.indirect.scatter.add.f32 [tilespmem:s10], [sflag:$0x1], $0x1, s20, s9, $0xb8;
	[tilespmem:$0x1500] =	vst v63  }
0xda: {  	_ =	swait.ge [sflag:s8], $0x80  }
0xdb: {  	[sflag:s8] =	ssyncset.done $0x0  }
0xdc: {  	[sflag:s8] =	ssyncadd.s32 $0xFFFFFF80  }
0xdd: {  	[spmem:s1] =	stream.indirect.scatter.add.f32 [tilespmem:s10], [sflag:$0x1], $0x1, s21, s9, $0xb8;
	[tilespmem:$0x1500] =	vst v63  }
0xde: {  	_ =	swait.ge [sflag:s8], $0x80  }
0xdf: {  	[sflag:s8] =	ssyncset.done $0x0  }
0xe0: {  	[sflag:s8] =	ssyncadd.s32 $0xFFFFFF80  }
0xe1: {  	[spmem:s1] =	stream.indirect.scatter.add.f32 [tilespmem:s10], [sflag:$0x1], $0x1, s22, s9, $0xb8;
	[tilespmem:$0x1500] =	vst v63  }
0xe2: {  	_ =	swait.ge [sflag:s8], $0x80  }
0xe3: {  	[sflag:s8] =	ssyncset.done $0x0  }
0xe4: {  	[sflag:s8] =	ssyncadd.s32 $0xFFFFFF80  }
0xe5: {  	[spmem:s1] =	stream.indirect.scatter.add.f32 [tilespmem:s10], [sflag:$0x1], $0x1, s23, s9, $0xb8;
	[tilespmem:$0x1500] =	vst v63  }
0xe6: {  	_ =	swait.ge [sflag:s8], $0x80  }
0xe7: {  	[sflag:s8] =	ssyncset.done $0x0  }
0xe8: {  	[sflag:s8] =	ssyncadd.s32 $0xFFFFFF80  }
0xe9: {  	[spmem:s1] =	stream.indirect.scatter.add.f32 [tilespmem:s10], [sflag:$0x1], $0x1, s24, s9, $0xb8;
	[tilespmem:$0x1500] =	vst v63  }
0xea: {  	_ =	swait.ge [sflag:s8], $0x80  }
0xeb: {  	[sflag:s8] =	ssyncset.done $0x0  }
0xec: {  	s26 =	sadd.s32 $0x1, s26;
	[sflag:s8] =	ssyncadd.s32 $0xFFFFFF80  }
0xed: {  	s28 =	simm.s32 @!p1 $0x1C41;
	p2 =	sne.s32 s26, s5;
	[bflag:$0x0] =	sbarrier.arrive $0xFFFF  }
0xee: {  	[hbm:s4], [sflag:s28] =	dma.local @!p1 [spmem:s25], $0x1900  }
.Ltmp1:
0xef: {  	_ = 	snop;
	(pc) =	sbr.rel @p2 .LBB2_1-.Ltmp1, $4  }
0xf0: {  	s28 =	simm.s32 @!p1 $0x1  }
0xf1: {  	_ =	swait.ge @!p1 [sflag:s28], $0x1900  }
0xf2: {  	[sflag:s28] =	ssyncset.done @!p1 $0x0  }
0xf3: {  	[sflag:s28] =	ssyncadd.s32 @!p1 $0xFFFFE700  }
0xf4: {  	_ =	sfence.sel $0x180000  }
0xf5: {  	[bflag:$0x0] =	sbarrier.arrive $0xFFFF  }
0xf6: {  	_ =	strace $0x90000047  }
0xf7: {  	s0 =	sadd.s32 @!p0 $0x100000, s0;
	[bflag:$0x2] =	sbarrier.arrive $0xFFFF  }
0xf8: {  	[sflag:s0] =	ssyncadd.tile.s32 @!p0 $0x1;
	_ =	shalt  }
.Lfunc_end2:
_tile_overlayer_lowered:
.L_overlay_start_2:
0xf9: {  	(tag) =	ssettag $0x2  }
0xfa: {  	s0 =	rddreg [dreg:$0x0];
	s2 =	stileid.u32  }
0xfb: {  	s1 =	rddreg [dreg:$0x1];
	p0 =	sne.s32 s2, $0x0  }
0xfc: {  	s3 =	rddreg [dreg:$0x2];
	[bflag:$0x3] =	sbarrier.arrive $0xFFFF;
	s2 =	simm.s32 @!p0 $0x1C01  }
0xfd: {  	[timem:s3], [sflag:s2] =	dma.local @!p0 [hbm:s0], s1  }
0xfe: {  	s0 =	simm.s32 @!p0 $0x1  }
0xff: {  	_ =	swait.ge @!p0 [sflag:s0], s1  }
0x100: {  	s1 =	ssub.s32 @!p0 $0x0, s1;
	[sflag:s0] =	ssyncset.done @!p0 $0x0  }
0x101: {  	[sflag:s0] =	ssyncadd.s32 @!p0 s1  }
0x102: {  	[bflag:$0x3] =	sbarrier.arrive $0xFFFF  }
0x103: {  	_ =	shalt  }

// kernel: kernel.9.cloned.1.call-start
scs
__scs_entry_jumppad:
0x0: {  	(pc) =	sbr.rel $0x88, $3  }
0x1: {  	(tag) =	ssettag $0x0;
	lr =	simm.s32 $0x1  }
0x2: {  	[smem:$0x3F98] =	sst lr;
	_ =	strace $0xD0000000  }
0x3: {  	_ = 	snop  }
0x4: {  	_ = 	snop  }
0x5: {  	_ = 	snop  }
0x6: {  	_ = 	snop  }
0x7: {  	_ = 	snop  }
__scs_overlays_trampoline_lowered:
0x8: {  	[smem:$0x3FA7] =	sst s0  }
0x9: {  	[smem:$0x3FA8] =	sst s1  }
0xa: {  	[smem:$0x3FA9] =	sst s2  }
0xb: {  	[smem:$0x3FAA] =	sst s3  }
0xc: {  	[smem:$0x3FAB] =	sst s4  }
0xd: {  	[smem:$0x3FAC] =	sst s5  }
0xe: {  	[smem:$0x3FAD] =	sst s6  }
0xf: {  	[smem:$0x3FAE] =	sst s7  }
0x10: {  	[smem:$0x3FAF] =	sst s8  }
0x11: {  	[smem:$0x3FB0] =	sst s9;
	s0 =	simm.s32 @!p0 $0x0  }
0x12: {  	s1 =	sld [smem:$0x3F96];
	s0 =	simm.s32 @p0 $0x1  }
0x13: {  	[smem:$0x3FB1] =	sst s0;
	s0 =	simm.s32 @!p1 $0x0  }
0x14: {  	s2 =	sld [smem:$0x3F95];
	s0 =	simm.s32 @p1 $0x1  }
0x15: {  	[smem:$0x3FB2] =	sst s0;
	s0 =	simm.s32 @!p2 $0x0  }
0x16: {  	s3 =	sld [smem:$0x3FDB];
	s0 =	simm.s32 @p2 $0x1  }
0x17: {  	s4 =	simm.s32 $0x1BF5;
	[smem:$0x3FB4] =	sst s0  }
0x18: {  	s0 =	sld [smem:$0x3F97];
	_ =	swait.ge [sflag:s4], $0x0  }
0x19: {  	s7 =	sld [smem:$0x3F98]  }
0x1a: {  	s8 =	sadd.s32 $0xFFFFE003, lr  }
0x1b: {  	s9 =	sadd.s32 $0xFFFFFEF7, lr;
	s5 =	simm.s32 $0xFFFFFFFF;
	p2 =	slt.u32 s8, $0xFFFFF086  }
0x1c: {  	p1 =	slt.u32 s9, $0xF7A;
	s5 =	simm.s32 @!p2 $0x0  }
0x1d: {  	s5 =	simm.s32 @p1 $0x1;
	p0 =	seq.s32 s7, s2  }
0x1e: {  	s7 =	smul.u32 @!p0 $0xF7A, s2;
	p2 =	seq.s32 @!p0 s5, $0x0  }
0x1f: {  	s9 =	smul.u32 $0xF7A, s1;
	s8 =	simm.s32 @!p0 $0x1BF5;
	p2 =	por !p2, p0  }
0x20: {  	[sflag:s8] =	ssyncset.s32 @!p0 $0xFFFFF086;
	s6 =	sadd.s32 @!p0 s3, s7;
	s7 =	simm.s32 @!p0 $0x108  }
0x21: {  	s3 =	sadd.s32 s3, s9;
	s6 =	sadd.s32 @!p0 $0x88, s6;
	s7 =	simm.s32 @p2 $0x1082  }
0x22: {  	[simem:s7], [sflag:s8] =	dma.local @!p0 [hbm:s6], $0xF7A  }
0x23: {  	s9 =	sor.u32 $0xD0000000, s2;
	s6 =	simm.s32 $0x108;
	_ =	swait.ge @!p0 [sflag:s8], $0x0  }
0x24: {  	s3 =	sadd.s32 $0x88, s3;
	s6 =	simm.s32 @!p1 $0x1082;
	[sflag:s4] =	ssyncset.s32 $0xFFFFF086  }
0x25: {  	[simem:s6], [sflag:s4] =	dma.local [hbm:s3], $0xF7A  }
0x26: {  	[smem:$0x3F98] =	sst s1;
	(tag) =	ssettag s2;
	_ =	strace s9  }
0x27: {  	s1 =	sld [smem:$0x3FA8]  }
0x28: {  	s2 =	sld [smem:$0x3FA9]  }
0x29: {  	s4 =	sld [smem:$0x3FAB]  }
0x2a: {  	p0 =	seq.s32 s5, $0x0;
	s5 =	sld [smem:$0x3FAC]  }
0x2b: {  	s6 =	sld [smem:$0x3FAD]  }
0x2c: {  	s7 =	sld [smem:$0x3FAE]  }
0x2d: {  	s3 =	simm.s32 $0x108;
	s8 =	sld [smem:$0x3FAF]  }
0x2e: {  	s3 =	simm.s32 @!p0 $0x1082;
	s9 =	sld [smem:$0x3FB0]  }
0x2f: {  	lr =	sadd.s32 s0, s3;
	s0 =	sld [smem:$0x3FA7]  }
0x30: {  	s3 =	sld [smem:$0x3FAA]  }
0x31: {  	[smem:$0x3FB3] =	sst s10  }
0x32: {  	s10 =	sld [smem:$0x3FB1];
	_ =	sdelay $0x3  }
0x33: {  	p0 =	seq.s32 s10, $0x1;
	s10 =	sld [smem:$0x3FB3];
	_ =	sdelay $0x3  }
0x34: {  	[smem:$0x3FB3] =	sst s10  }
0x35: {  	s10 =	sld [smem:$0x3FB2];
	_ =	sdelay $0x3  }
0x36: {  	p1 =	seq.s32 s10, $0x1;
	s10 =	sld [smem:$0x3FB3];
	_ =	sdelay $0x3  }
0x37: {  	[smem:$0x3FB3] =	sst s10  }
0x38: {  	s10 =	sld [smem:$0x3FB4]  }
0x39: {  	_ = 	snop;
	(pc) =	sbr.ind lr, $3  }
0x3a: {  	_ = 	snop  }
0x3b: {  	_ = 	snop  }
0x3c: {  	p2 =	seq.s32 s10, $0x1;
	s10 =	sld [smem:$0x3FB3]  }
0x3d: {  	_ =	shalt  }
0x3e: {  	_ =	shalt  }
0x3f: {  	_ =	shalt  }
0x40: {  	_ =	shalt  }
0x41: {  	_ =	shalt  }
0x42: {  	_ =	shalt  }
0x43: {  	_ =	shalt  }
0x44: {  	_ =	shalt  }
0x45: {  	_ =	shalt  }
0x46: {  	_ =	shalt  }
0x47: {  	_ =	shalt  }
0x48: {  	_ =	shalt  }
0x49: {  	_ =	shalt  }
0x4a: {  	_ =	shalt  }
0x4b: {  	_ =	shalt  }
0x4c: {  	_ =	shalt  }
0x4d: {  	_ =	shalt  }
0x4e: {  	_ =	shalt  }
0x4f: {  	_ =	shalt  }
0x50: {  	_ =	shalt  }
0x51: {  	_ =	shalt  }
0x52: {  	_ =	shalt  }
0x53: {  	_ =	shalt  }
0x54: {  	_ =	shalt  }
0x55: {  	_ =	shalt  }
0x56: {  	_ =	shalt  }
0x57: {  	_ =	shalt  }
0x58: {  	_ =	shalt  }
0x59: {  	_ =	shalt  }
0x5a: {  	_ =	shalt  }
0x5b: {  	_ =	shalt  }
0x5c: {  	_ =	shalt  }
0x5d: {  	_ =	shalt  }
0x5e: {  	_ =	shalt  }
0x5f: {  	_ =	shalt  }
0x60: {  	_ =	shalt  }
0x61: {  	_ =	shalt  }
0x62: {  	_ =	shalt  }
0x63: {  	_ =	shalt  }
0x64: {  	_ =	shalt  }
0x65: {  	_ =	shalt  }
0x66: {  	_ =	shalt  }
0x67: {  	_ =	shalt  }
0x68: {  	_ =	shalt  }
0x69: {  	_ =	shalt  }
0x6a: {  	_ =	shalt  }
0x6b: {  	_ =	shalt  }
0x6c: {  	_ =	shalt  }
0x6d: {  	_ =	shalt  }
0x6e: {  	_ =	shalt  }
0x6f: {  	_ =	shalt  }
0x70: {  	_ =	shalt  }
0x71: {  	_ =	shalt  }
0x72: {  	_ =	shalt  }
0x73: {  	_ =	shalt  }
0x74: {  	_ =	shalt  }
0x75: {  	_ =	shalt  }
0x76: {  	_ =	shalt  }
0x77: {  	_ =	shalt  }
0x78: {  	_ =	shalt  }
0x79: {  	_ =	shalt  }
0x7a: {  	_ =	shalt  }
0x7b: {  	_ =	shalt  }
0x7c: {  	_ =	shalt  }
0x7d: {  	_ =	shalt  }
0x7e: {  	_ =	shalt  }
0x7f: {  	_ =	shalt  }
0x80: {  	_ =	shalt  }
0x81: {  	_ =	shalt  }
0x82: {  	_ =	shalt  }
0x83: {  	_ =	shalt  }
0x84: {  	_ =	shalt  }
0x85: {  	_ =	shalt  }
0x86: {  	_ =	shalt  }
0x87: {  	_ =	shalt  }
.Lfunc_end0:
.L_simem_size_0:
called_computation.1_lowered:
.L_overlay_start_0:
0x88: {  	s2 =	sld [smem:$0x3FD9]  }
0x89: {  	s3 =	sld [smem:$0x3FFE];
	_ =	sdelay $0x1  }
0x8a: {  	s1 =	srdreg.scid  }
0x8b: {  	s0 =	sand.u32 $0x1, s1  }
0x8c: {  	s16 =	sshll.u32 s0, $0xA;
	s2 =	sadd.s32 s3, s2  }
0x8d: {  	s2 =	sadd.s32 s2, s16  }
0x8e: {  	[smem:$0x3FBF] =	sst s2  }
0x8f: {  	_ = 	snop  }
0x90: {  	(tm) =	ssettm $0x1  }
0x91: {  	s17 =	sld [smem:$0x3FFB];
	_ =	sdelay $0x3  }
0x92: {  	_ =	strace s17  }
0x93: {  	s2 =	sld [smem:$0x3FFC];
	_ =	sdelay $0x3  }
0x94: {  	_ =	strace s2  }
0x95: {  	s2 =	sld [smem:$0x3FFD];
	_ =	sdelay $0x3  }
0x96: {  	_ =	strace s2  }
0x97: {  	_ =	strace $0x8FFFFFFF  }
0x98: {  	s18 =	sld [smem:$0x3FDB];
	_ =	sdelay $0x1  }
0x99: {  	s19 =	simm.s32 $_scs_section_size  }
0x9a: {  	s4 =	simm.s32 $_size__tile_overlayer_lowered;
	s5 =	simm.s32 $_tile_overlayer_lowered  }
0x9b: {  	s22 =	simm.s32 $0x1BFF;
	s21 =	sshll.u32 s5, $0x1;
	s2 =	sadd.s32 s19, s18  }
0x9c: {  	s6 =	simm.s32 $0x0;
	s20 =	sshll.u32 s4, $0x1;
	s4 =	sadd.s32 s21, s2  }
0x9d: {  	[timem:s6], [sflag:s22] =	dma.local [hbm:s4], s20  }
0x9e: {  	_ =	swait.ge [sflag:s22], s20  }
0x9f: {  	s3 =	ssub.s32 $0x0, s20;
	[sflag:s22] =	ssyncset.done $0x0  }
0xa0: {  	[sflag:s22] =	ssyncadd.s32 s3;
	_ =	sdelay $0x1  }
0xa1: {  	s23 =	simm.s32 $0x1B8B  }
0xa2: {  	_ =	swait.ge [sflag:s23], $0x1  }
0xa3: {  	[sflag:s23] =	ssyncset.done $0x0  }
0xa4: {  	s25 =	simm.s32 $0x1B8E;
	s24 =	sld [smem:$0x3FFE];
	[sflag:s23] =	ssyncadd.s32 $0xFFFFFFFF  }
0xa5: {  	s26 =	simm.s32 $execute0_lowered;
	[smem:$0x3FD2] =	sst s25  }
0xa6: {  	s4 =	sshll.u32 s26, $0x1;
	_ =	strace $0x80000049;
	[dreg:$0x1] =	wrdreg $0xFFFFFFFF  }
0xa7: {  	s28 =	simm.s32 $_size_execute0_lowered;
	s2 =	sadd.s32 s2, s4;
	[dreg:$0x0] =	wrdreg $0x0  }
0xa8: {  	s4 =	sshll.u32 s28, $0x1;
	[dreg:$0x2] =	wrdreg s2  }
0xa9: {  	[dreg:$0x3] =	wrdreg s4  }
0xaa: {  	[dreg:$0x4] =	wrdreg $0xC0  }
0xab: {  	_ =	task [dreg:s6], $0x5FFFF  }
0xac: {  	[dreg:$0x1] =	wrdreg $0xFFFFFFFF  }
0xad: {  	[dreg:$0x0] =	wrdreg $0x60  }
0xae: {  	[dreg:$0x2] =	wrdreg s24  }
0xaf: {  	[dreg:$0x3] =	wrdreg $0x108C00  }
0xb0: {  	[dreg:$0x4] =	wrdreg $0x115400  }
0xb1: {  	[dreg:$0x5] =	wrdreg $0x121C00  }
0xb2: {  	[dreg:$0x6] =	wrdreg $0x12E400  }
0xb3: {  	[dreg:$0x7] =	wrdreg $0x13AC00  }
0xb4: {  	[dreg:$0x8] =	wrdreg $0x13000  }
0xb5: {  	[dreg:$0x9] =	wrdreg $0x1F800  }
0xb6: {  	[dreg:$0xa] =	wrdreg $0x2C000  }
0xb7: {  	[dreg:$0xb] =	wrdreg $0x38800  }
0xb8: {  	[dreg:$0xc] =	wrdreg $0x9  }
0xb9: {  	_ =	task.clear_ibuf [dreg:s6], $0xDFFFF;
	_ =	strace $0x90000049  }
0xba: {  	s29 =	simm.s32 $0x9;
	_ =	strace $0x8000004B  }
0xbb: {  	_ =	swait.ge [sflag:s29], $0x1  }
0xbc: {  	[sflag:s29] =	ssyncadd.s32 $0xFFFFFFFF  }
0xbd: {  	_ =	strace $0x9000004B  }
0xbe: {  	_ =	sfence  }
0xbf: {  	s30 =	sld [smem:$0x0];
	_ =	sdelay $0x2  }
0xc0: {  	s31 =	sshll.u32 s1, $0xD;
	s1 =	sshrl.u32 s1, $0x2  }
0xc1: {  	s3 =	sand.u32 $0x4000, s31;
	s1 =	sadd.s32 s1, s30  }
0xc2: {  	s0 =	sor.u32 s3, s0;
	s1 =	sshll.u32 s1, $0x11  }
0xc3: {  	s0 =	sor.u32 s1, s0  }
0xc4: {  	s0 =	sadd.s32 $0x8F2B, s0  }
0xc5: {  	[sflag:s0] =	ssyncadd.remote.s32 $0x1  }
0xc6: {  	_ =	sfence.sel $0xFFFF  }
0xc7: {  	[dreg:$0x0] =	wrdreg $0xFFFFFFFF;
	(pc) =	sbr.abs _section_cstart, $3  }
0xc8: {  	[dreg:$0x1] =	wrdreg $0xFFFFFFFF  }
0xc9: {  	_ =	task.clear_ibuf [dreg:s6], $0x2FFFF;
	_ =	strace $0x9FFFFFFF  }
0xca: {  	(tm) =	ssettm $0x7FFFFFFF  }
0xcb: {  	_ =	shalt  }
tec
execute0_lowered:
.L_overlay_start_1:
0x0: {  	(tag) =	ssettag $0x1  }
0x1: {  	s11 =	stileid.u32  }
0x2: {  	s0 =	rddreg [dreg:$0x0];
	p1 =	sgt.s32 s11, $0x1  }
0x3: {  	s1 =	rddreg [dreg:$0x1];
	p0 =	seq.s32 @p1 s11, $0x2  }
0x4: {  	s2 =	rddreg [dreg:$0x2];
	p2 =	por p0, !p1  }
0x5: {  	s3 =	rddreg [dreg:$0x3];
	p4 =	por !p0, !p1;
	p2 =	seq.s32 @!p2 s11, $0x3  }
0x6: {  	s4 =	rddreg [dreg:$0x4];
	s8 =	simm.s32 @!p4 $0x0;
	p0 =	por @p1 !p2, p0  }
0x7: {  	p3 =	seq.s32 @!p1 s11, $0x0;
	s8 =	simm.s32 @p4 $0x1;
	p0 =	por p0, !p1  }
0x8: {  	p2 =	por p3, p1;
	[smem:$0x7EA] =	sst s8;
	s8 =	simm.s32 @!p0 $0x0  }
0x9: {  	p4 =	por !p3, p1;
	p2 =	seq.s32 @!p2 s11, $0x1;
	s8 =	simm.s32 @p0 $0x1  }
0xa: {  	p2 =	por @!p1 !p2, p3;
	[smem:$0x7EB] =	sst s8;
	s8 =	simm.s32 @!p4 $0x0  }
0xb: {  	p0 =	sgt.s32 s11, $0xA;
	p1 =	por p2, p1;
	s8 =	simm.s32 @p4 $0x1  }
0xc: {  	p3 =	seq.s32 @p0 s11, $0xB;
	[smem:$0x7EC] =	sst s8;
	s8 =	simm.s32 @!p1 $0x0  }
0xd: {  	p2 =	sgt.s32 s11, $0x5;
	s8 =	simm.s32 @p1 $0x1;
	p1 =	por p3, !p0  }
0xe: {  	p6 =	seq.s32 @!p0 s11, $0x9;
	p4 =	seq.s32 @!p1 s11, $0xC;
	p1 =	seq.s32 @p2 s11, $0x6  }
0xf: {  	[smem:$0x7ED] =	sst s8;
	s8 =	simm.s32 @!p2 $0x0;
	s9 =	simm.s32 @!p1 $0x0  }
0x10: {  	s8 =	simm.s32 @p2 $0x1;
	s9 =	simm.s32 @p1 $0x1;
	p1 =	por p1, !p2  }
0x11: {  	p5 =	por @p0 !p4, p3;
	[smem:$0x7F3] =	sst s9;
	s9 =	simm.s32 @!p1 $0x0  }
0x12: {  	p4 =	por !p3, !p0;
	s9 =	simm.s32 @p1 $0x1;
	p1 =	seq.s32 @!p1 s11, $0x7  }
0x13: {  	p3 =	por p6, p0;
	[smem:$0x7EF] =	sst s9;
	s9 =	simm.s32 @!p1 $0x0  }
0x14: {  	[smem:$0x7F0] =	sst s8;
	p3 =	seq.s32 @!p3 s11, $0xA;
	s9 =	simm.s32 @p1 $0x1  }
0x15: {  	[smem:$0x7F1] =	sst s9;
	s9 =	simm.s32 @!p3 $0x0  }
0x16: {  	s18 =	sld [smem:$0x7F3];
	s9 =	simm.s32 @p3 $0x1  }
0x17: {  	[smem:$0x7EE] =	sst s9  }
0x18: {  	s19 =	sld [smem:$0x7EE]  }
0x19: {  	s21 =	sld [smem:$0x7EF];
	p3 =	seq.s32 s18, $0x1  }
0x1a: {  	p5 =	por p5, !p0;
	s20 =	sld [smem:$0x7F1];
	p3 =	por @p2 p1, p3  }
0x1b: {  	s22 =	sld [smem:$0x7F0];
	p2 =	por p3, !p2;
	p1 =	seq.s32 s19, $0x1  }
0x1c: {  	p3 =	seq.s32 @!p2 s11, $0x8;
	p2 =	seq.s32 s21, $0x1;
	p1 =	por @!p0 !p1, p6  }
0x1d: {  	p6 =	por !p6, p0;
	p0 =	por p1, p0;
	p1 =	seq.s32 s20, $0x1  }
0x1e: {  	s5 =	rddreg [dreg:$0x5];
	p1 =	por @!p2 !p3, p1  }
0x1f: {  	s6 =	rddreg [dreg:$0x6];
	p2 =	seq.s32 s22, $0x1;
	s9 =	simm.s32 @!p1 $0x0  }
0x20: {  	s24 =	sld [smem:$0x7F3];
	s9 =	simm.s32 @p1 $0x1;
	p1 =	seq.s32 @!p2 s11, $0x4  }
0x21: {  	[smem:$0x7F2] =	sst s9;
	s9 =	simm.s32 @!p1 $0x0  }
0x22: {  	s23 =	sld [smem:$0x7F1];
	s9 =	simm.s32 @p1 $0x1  }
0x23: {  	[smem:$0x7FB] =	sst s9  }
0x24: {  	s25 =	sld [smem:$0x7FB]  }
0x25: {  	s7 =	rddreg [dreg:$0x7];
	p3 =	seq.s32 s24, $0x1;
	p1 =	seq.s32 s23, $0x1  }
0x26: {  	s12 =	sld [smem:$0x7F3];
	p1 =	por @p2 !p1, p3  }
0x27: {  	s26 =	sld [smem:$0x7F2];
	s9 =	simm.s32 @!p1 $0x0;
	p3 =	seq.s32 s25, $0x1  }
0x28: {  	s13 =	sld [smem:$0x7F3];
	s9 =	simm.s32 @p1 $0x1;
	p1 =	por p3, p2  }
0x29: {  	[smem:$0x7F6] =	sst s9;
	s9 =	simm.s32 @!p1 $0x0  }
0x2a: {  	p3 =	seq.s32 s12, $0x1;
	s9 =	simm.s32 @p1 $0x1;
	p1 =	seq.s32 s26, $0x1  }
0x2b: {  	[smem:$0x7F5] =	sst s9;
	p1 =	por @p2 p1, p3  }
0x2c: {  	p3 =	seq.s32 s13, $0x1;
	s9 =	simm.s32 @!p1 $0x0;
	s14 =	sld [smem:$0x7F5]  }
0x2d: {  	s10 =	rddreg [dreg:$0x9];
	s9 =	simm.s32 @p1 $0x1;
	p1 =	por !p3, !p2  }
0x2e: {  	[smem:$0x7F8] =	sst s9;
	s9 =	simm.s32 @!p1 $0x0  }
0x2f: {  	s15 =	sld [smem:$0x7F6];
	s9 =	simm.s32 @p1 $0x1;
	p1 =	seq.s32 s14, $0x1  }
0x30: {  	s16 =	sld [smem:$0x7F8];
	p1 =	seq.s32 @!p1 s11, $0x5  }
0x31: {  	[smem:$0x7F4] =	sst s9;
	s9 =	simm.s32 @!p1 $0x0  }
0x32: {  	s18 =	sld [smem:$0x7FB];
	p3 =	seq.s32 s15, $0x1;
	s9 =	simm.s32 @p1 $0x1  }
0x33: {  	s28 =	simm.s32 $0x6;
	p1 =	por p3, !p2;
	[smem:$0x7FA] =	sst s9  }
0x34: {  	p3 =	seq.s32 s16, $0x1;
	s9 =	simm.s32 @!p1 $0x0;
	s17 =	sld [smem:$0x7FA]  }
0x35: {  	s29 =	simm.s32 $0x800;
	s9 =	simm.s32 @p1 $0x1;
	p1 =	por p3, !p2  }
0x36: {  	s30 =	simm.s32 $0x80;
	[smem:$0x7F7] =	sst s9;
	s9 =	simm.s32 @!p1 $0x0  }
0x37: {  	p3 =	seq.s32 s18, $0x1;
	s9 =	simm.s32 @p1 $0x1;
	p1 =	seq.s32 s17, $0x1  }
0x38: {  	s31 =	simm.s32 $0x1000;
	s8 =	rddreg [dreg:$0x8];
	p1 =	por @!p2 !p1, p3  }
0x39: {  	s20 =	simm.s32 $0x0;
	[smem:$0x7F9] =	sst s9;
	s9 =	simm.s32 @!p1 $0x0  }
0x3a: {  	s21 =	sadd.s32 $0x6E800, s0;
	[smem:$0x7FF] =	sst s20;
	s9 =	simm.s32 @p1 $0x1  }
0x3b: {  	s19 =	sadd.s32 $0x6B400, s0;
	s22 =	srdreg.scid;
	[smem:$0x7FC] =	sst s9  }
0x3c: {  	s24 =	sadd.s32 $0x69A00, s0;
	s23 =	sadd.s32 $0x68000, s0;
	s9 =	sld [smem:$0x7FC]  }
0x3d: {  	s12 =	sadd.s32 $0x34600, s0;
	_ =	strace $0x8000004A;
	[dreg:$0xc] =	wrdreg s19  }
0x3e: {  	s13 =	sadd.s32 $0x2600, s0;
	s14 =	sadd.s32 $0x6CE00, s0;
	[dreg:$0xd] =	wrdreg s21  }
0x3f: {  	s16 =	sadd.s32 $0xBE600, s0;
	p1 =	por !p3, p2;
	[dreg:$0xe] =	wrdreg s14  }
0x40: {  	[dreg:$0xf] =	wrdreg s23;
	p3 =	seq.s32 s9, $0x1;
	s9 =	sand.u32 $0x1, s22  }
0x41: {  	[dreg:$0x10] =	wrdreg s24;
	s19 =	sadd.s32 $0x66600, s0;
	s15 =	smul.u32 $0x25800, s9  }
0x42: {  	[dreg:$0x12] =	wrdreg s19;
	s19 =	simm.s32 $0x4;
	s18 =	smul.u32 $0x4B00, s9  }
0x43: {  	p2 =	por p3, p2;
	s25 =	ssub.s32 $0x2, s9;
	s26 =	smul.u32 $0x1A080, s9  }
0x44: {  	s9 =	sshll.u32 s9, $0x4;
	p3 =	sgt.s32 s11, $0x3;
	s17 =	sshrl.u32 s25, $0x1  }
0x45: {  	s9 =	sor.u32 s11, s9;
	s14 =	ssub.s32 s25, s17;
	s15 =	sshrl.u32 s15, $0x3  }
0x46: {  	s21 =	sadd.s32 s26, s0;
	s0 =	sadd.s32 $0x70200, s0;
	s22 =	smul.u32 $0xC800, s9  }
0x47: {  	s9 =	simm.s32 $0x1080;
	s17 =	simm.s32 $0x2;
	s15 =	sadd.s32 s16, s15  }
0x48: {  	s16 =	sadd.s32 s16, s18;
	[dreg:$0x13] =	wrdreg s0;
	s23 =	sadd.s32 $0x8A400, s21  }
0x49: {  	s26 =	smax.u32 s14, $0x1;
	s0 =	simm.s32 @!p3 $0x0;
	[dreg:$0x11] =	wrdreg s16  }
0x4a: {  	s14 =	simm.s32 $0x1180;
	s18 =	simm.s32 $0x3;
	[dreg:$0x14] =	wrdreg s23  }
0x4b: {  	s21 =	simm.s32 $0x5;
	s24 =	sadd.s32 $0x3200, s15;
	[dreg:$0x17] =	wrdreg s26  }
0x4c: {  	s25 =	sadd.s32 $0x1900, s15;
	s0 =	simm.s32 @p3 $0x1;
	[dreg:$0x15] =	wrdreg s24  }
0x4d: {  	s15 =	simm.s32 $0x1200;
	s16 =	simm.s32 $0x1;
	[dreg:$0x16] =	wrdreg s25  }
0x4e: {  	s23 =	simm.s32 $0x1280;
	[smem:$0x7FD] =	sst s0;
	s0 =	simm.s32 $0x1100  }
.LBB2_1:
0x4f: {  	s11 =	sld [smem:$0x7FD];
	_ =	sdelay $0x2  }
0x50: {  	p3 =	seq.s32 s11, $0x1  }
.Ltmp0:
0x51: {  	_ = 	snop;
	(pc) =	sbr.rel @!p3 .LBB2_2-.Ltmp0, $2  }
0x52: {  	_ =	sdelay $0x2  }
0x53: {  	[dreg:$0xb] =	wrdreg s20  }
0x54: {  	s11 =	sld [smem:$0x7F4];
	_ =	sdelay $0x2  }
0x55: {  	p3 =	seq.s32 s11, $0x1  }
0x56: {  	s25 =	rddreg [dreg:$0x12];
	s20 =	sshrl.u32 @!p3 s7, $0x3;
	s24 =	simm.s32 @!p3 $0x1D86  }
0x57: {  	[spmem:s20], [sflag:s24] =	dma.local @!p3 [hbm:s25], $0x1900  }
0x58: {  	s20 =	simm.s32 @!p3 $0x6  }
0x59: {  	_ =	swait.ge @!p3 [sflag:s20], $0x1900  }
0x5a: {  	s24 =	sld [smem:$0x7F7];
	_ =	sdelay $0x1  }
0x5b: {  	[sflag:s20] =	ssyncset.done @!p3 $0x0  }
0x5c: {  	[sflag:s20] =	ssyncadd.s32 @!p3 $0xFFFFE700;
	p3 =	seq.s32 s24, $0x1  }
0x5d: {  	s20 =	sshrl.u32 @!p3 s8, $0x3;
	s24 =	simm.s32 @!p3 $0x1DC6  }
0x5e: {  	[spmem:s20], [sflag:s24] =	dma.local @!p3 [hbm:s25], $0x1900  }
0x5f: {  	s20 =	simm.s32 @!p3 $0x6  }
0x60: {  	_ =	swait.ge @!p3 [sflag:s20], $0x1900  }
0x61: {  	s26 =	sld [smem:$0x7F9];
	_ =	sdelay $0x1  }
0x62: {  	[sflag:s20] =	ssyncset.done @!p3 $0x0  }
0x63: {  	[sflag:s20] =	ssyncadd.s32 @!p3 $0xFFFFE700;
	p3 =	seq.s32 s26, $0x1  }
0x64: {  	s11 =	rddreg [dreg:$0x13];
	s20 =	sshrl.u32 @!p3 s10, $0x3;
	s24 =	simm.s32 @!p3 $0x1E06  }
0x65: {  	[spmem:s20], [sflag:s24] =	dma.local @!p3 [hbm:s11], $0x1A080  }
0x66: {  	s20 =	simm.s32 @!p3 $0x6  }
0x67: {  	_ =	swait.ge @!p3 [sflag:s20], $0x1A080  }
0x68: {  	s24 =	simm.s32 @!p1 $0x1D06;
	[sflag:s20] =	ssyncset.done @!p3 $0x0  }
0x69: {  	s11 =	rddreg [dreg:$0x10];
	[sflag:s20] =	ssyncadd.s32 @!p3 $0xFFFE5F80;
	s20 =	sshrl.u32 @!p1 s5, $0x3  }
0x6a: {  	[spmem:s20], [sflag:s24] =	dma.local @!p1 [hbm:s11], $0x1900  }
0x6b: {  	s20 =	simm.s32 @!p1 $0x6  }
0x6c: {  	_ =	swait.ge @!p1 [sflag:s20], $0x1900  }
0x6d: {  	[sflag:s20] =	ssyncset.done @!p1 $0x0  }
0x6e: {  	s24 =	simm.s32 @!p2 $0x1D46;
	[sflag:s20] =	ssyncadd.s32 @!p1 $0xFFFFE700;
	s20 =	sshrl.u32 @!p2 s6, $0x3  }
0x6f: {  	[spmem:s20], [sflag:s24] =	dma.local @!p2 [hbm:s25], $0x1900  }
.Ltmp1:
0x70: {  	_ = 	snop;
	(pc) =	sbr.rel .LBB2_4-.Ltmp1, $4  }
0x71: {  	s20 =	simm.s32 @!p2 $0x6  }
0x72: {  	_ =	swait.ge @!p2 [sflag:s20], $0x1900  }
0x73: {  	[sflag:s20] =	ssyncset.done @!p2 $0x0  }
0x74: {  	[sflag:s20] =	ssyncadd.s32 @!p2 $0xFFFFE700  }
.LBB2_2:
0x75: {  	s11 =	sld [smem:$0x7EA];
	_ =	sdelay $0x2  }
0x76: {  	p3 =	seq.s32 s11, $0x1  }
0x77: {  	s11 =	rddreg [dreg:$0xe];
	s20 =	sshrl.u32 @!p3 s3, $0x3;
	s24 =	simm.s32 @!p3 $0x1C86  }
0x78: {  	[spmem:s20], [sflag:s24] =	dma.local @!p3 [hbm:s11], $0x1900  }
0x79: {  	s20 =	simm.s32 @!p3 $0x6  }
0x7a: {  	_ =	swait.ge @!p3 [sflag:s20], $0x1900  }
0x7b: {  	s24 =	sld [smem:$0x7EB];
	_ =	sdelay $0x1  }
0x7c: {  	[sflag:s20] =	ssyncset.done @!p3 $0x0  }
0x7d: {  	[sflag:s20] =	ssyncadd.s32 @!p3 $0xFFFFE700;
	p3 =	seq.s32 s24, $0x1  }
0x7e: {  	s11 =	rddreg [dreg:$0xf];
	s20 =	sshrl.u32 @!p3 s4, $0x3;
	s24 =	simm.s32 @!p3 $0x1CC6  }
0x7f: {  	[spmem:s20], [sflag:s24] =	dma.local @!p3 [hbm:s11], $0x1900  }
0x80: {  	s20 =	simm.s32 @!p3 $0x6  }
0x81: {  	_ =	swait.ge @!p3 [sflag:s20], $0x1900  }
0x82: {  	s25 =	sld [smem:$0x7EC];
	_ =	sdelay $0x1  }
0x83: {  	[sflag:s20] =	ssyncset.done @!p3 $0x0  }
0x84: {  	[sflag:s20] =	ssyncadd.s32 @!p3 $0xFFFFE700;
	p3 =	seq.s32 s25, $0x1  }
0x85: {  	s11 =	rddreg [dreg:$0xc];
	s20 =	sshrl.u32 @!p3 s1, $0x3;
	s24 =	simm.s32 @!p3 $0x1C06  }
0x86: {  	[spmem:s20], [sflag:s24] =	dma.local @!p3 [hbm:s11], $0x1900  }
0x87: {  	s20 =	simm.s32 @!p3 $0x6  }
0x88: {  	_ =	swait.ge @!p3 [sflag:s20], $0x1900  }
0x89: {  	s26 =	sld [smem:$0x7ED];
	_ =	sdelay $0x1  }
0x8a: {  	[sflag:s20] =	ssyncset.done @!p3 $0x0  }
0x8b: {  	[sflag:s20] =	ssyncadd.s32 @!p3 $0xFFFFE700;
	p3 =	seq.s32 s26, $0x1  }
0x8c: {  	s11 =	rddreg [dreg:$0xd];
	s20 =	sshrl.u32 @!p3 s2, $0x3;
	s24 =	simm.s32 @!p3 $0x1C46  }
0x8d: {  	[spmem:s20], [sflag:s24] =	dma.local @!p3 [hbm:s11], $0x1900  }
0x8e: {  	s20 =	simm.s32 @!p3 $0x6  }
0x8f: {  	_ =	swait.ge @!p3 [sflag:s20], $0x1900  }
0x90: {  	[sflag:s20] =	ssyncset.done @!p3 $0x0  }
0x91: {  	[sflag:s20] =	ssyncadd.s32 @!p3 $0xFFFFE700  }
.LBB2_4:
0x92: {  	[bflag:$0x0] =	sbarrier.arrive $0xFFFF;
	s24 =	simm.s32 $0x0;
	s25 =	simm.s32 $0x0  }
.LBB2_5:
0x93: {  	s20 =	sshll.u32 s25, $0xB  }
0x94: {  	s20 =	sadd.s32 s22, s20  }
0x95: {  	s20 =	sshrl.u32 s20, $0x3  }
0x96: {  	s26 =	sadd.s32 s12, s20  }
0x97: {  	[tilespmem:s24], [sflag:$0x6] =	stream.linear.gather [hbm4b:s26+s24], $0x800, $0x38;
	[tilespmem:$0x14740] =	vst v63  }
0x98: {  	_ =	swait.ge [sflag:s28], $0x800  }
0x99: {  	[sflag:s28] =	ssyncset.done $0x0  }
0x9a: {  	s20 =	sadd.s32 s13, s20;
	[sflag:s28] =	ssyncadd.s32 $0xFFFFF800  }
0x9b: {  	[tilespmem:s29], [sflag:$0x6] =	stream.linear.gather [hbm4b:s20+s24], $0x800, $0x38;
	[tilespmem:$0x14740] =	vst v63  }
0x9c: {  	_ =	swait.ge [sflag:s28], $0x800  }
0x9d: {  	[sflag:s28] =	ssyncset.done $0x0  }
0x9e: {  	s20 =	simm.s32 $0x0;
	[sflag:s28] =	ssyncadd.s32 $0xFFFFF800  }
0x9f: {  	[tilespmem:s31], [sflag:$0x1] =	stream.indirect.gather [spmem:s1], $0x1, s20, s30, $0xb8;
	[tilespmem:$0x14740] =	vst v63  }
0xa0: {  	_ = 	snop  }
0xa1: {  	[tilespmem:s9], [sflag:$0x2] =	stream.indirect.gather [spmem:s2], $0x1, s20, s30, $0xb8;
	[tilespmem:$0x14740] =	vst v63  }
0xa2: {  	_ = 	snop  }
0xa3: {  	[tilespmem:s0], [sflag:$0x3] =	stream.indirect.gather [spmem:s3], $0x1, s20, s30, $0xb8;
	[tilespmem:$0x14740] =	vst v63  }
0xa4: {  	s11 =	simm.s32 $0x800  }
0xa5: {  	[tilespmem:s14], [sflag:$0x4] =	stream.indirect.gather [spmem:s4], $0x1, s11, s30, $0xb8;
	[tilespmem:$0x14740] =	vst v63  }
0xa6: {  	_ = 	snop  }
0xa7: {  	[tilespmem:s15], [sflag:$0x5] =	stream.indirect.gather [spmem:s5], $0x1, s11, s30, $0xb8;
	[tilespmem:$0x14740] =	vst v63  }
0xa8: {  	_ =	swait.ge [sflag:s16], $0x80  }
0xa9: {  	[sflag:s16] =	ssyncset.done $0x0  }
0xaa: {  	[sflag:s16] =	ssyncadd.s32 $0xFFFFFF80  }
0xab: {  	[spmem:s6] =	stream.indirect.scatter.add.f32 [tilespmem:s31], [sflag:$0x6], $0x1, s11, s30, $0xb8;
	[tilespmem:$0x14740] =	vst v63  }
0xac: {  	_ =	swait.ge [sflag:s28], $0x80  }
0xad: {  	[sflag:s28] =	ssyncset.done $0x0  }
0xae: {  	[sflag:s28] =	ssyncadd.s32 $0xFFFFFF80  }
0xaf: {  	_ =	swait.ge [sflag:s17], $0x80  }
0xb0: {  	[sflag:s17] =	ssyncset.done $0x0  }
0xb1: {  	[sflag:s17] =	ssyncadd.s32 $0xFFFFFF80  }
0xb2: {  	[spmem:s7] =	stream.indirect.scatter.add.f32 [tilespmem:s9], [sflag:$0x6], $0x1, s11, s30, $0xb8;
	[tilespmem:$0x14740] =	vst v63  }
0xb3: {  	_ =	swait.ge [sflag:s28], $0x80  }
0xb4: {  	[sflag:s28] =	ssyncset.done $0x0  }
0xb5: {  	[sflag:s28] =	ssyncadd.s32 $0xFFFFFF80  }
0xb6: {  	_ =	swait.ge [sflag:s18], $0x80  }
0xb7: {  	[sflag:s18] =	ssyncset.done $0x0  }
0xb8: {  	[sflag:s18] =	ssyncadd.s32 $0xFFFFFF80  }
0xb9: {  	[spmem:s8] =	stream.indirect.scatter.add.f32 [tilespmem:s0], [sflag:$0x6], $0x1, s11, s30, $0xb8;
	[tilespmem:$0x14740] =	vst v63  }
0xba: {  	_ =	swait.ge [sflag:s28], $0x80  }
0xbb: {  	[sflag:s28] =	ssyncset.done $0x0  }
0xbc: {  	[sflag:s28] =	ssyncadd.s32 $0xFFFFFF80  }
0xbd: {  	_ =	swait.ge [sflag:s21], $0x80  }
0xbe: {  	[sflag:s21] =	ssyncset.done $0x0  }
0xbf: {  	[sflag:s21] =	ssyncadd.s32 $0xFFFFFF80  }
0xc0: {  	v0 =	vld [tilespmem:$0x1200]  }
0xc1: {  	v1 =	vld [tilespmem:s20+$0x0];
	_ =	sdelay $0x4  }
0xc2: {  	v0 =	vadd.s32 v0, v1  }
0xc3: {  	v57 =	vld [tilespmem:$0x1210];
	[tilespmem:$0x1280] =	vst v0  }
0xc4: {  	v0 =	vld [tilespmem:s20+$0x10];
	_ =	sdelay $0x4  }
0xc5: {  	v0 =	vadd.s32 v57, v0  }
0xc6: {  	v58 =	vld [tilespmem:$0x1220];
	[tilespmem:$0x1290] =	vst v0  }
0xc7: {  	v0 =	vld [tilespmem:s20+$0x20];
	_ =	sdelay $0x4  }
0xc8: {  	v0 =	vadd.s32 v58, v0  }
0xc9: {  	v59 =	vld [tilespmem:$0x1230];
	[tilespmem:$0x12A0] =	vst v0  }
0xca: {  	v0 =	vld [tilespmem:s20+$0x30];
	_ =	sdelay $0x4  }
0xcb: {  	v0 =	vadd.s32 v59, v0  }
0xcc: {  	v60 =	vld [tilespmem:$0x1240];
	[tilespmem:$0x12B0] =	vst v0  }
0xcd: {  	v0 =	vld [tilespmem:s20+$0x40];
	_ =	sdelay $0x4  }
0xce: {  	v0 =	vadd.s32 v60, v0  }
0xcf: {  	v61 =	vld [tilespmem:$0x1250];
	[tilespmem:$0x12C0] =	vst v0  }
0xd0: {  	v0 =	vld [tilespmem:s20+$0x50];
	_ =	sdelay $0x4  }
0xd1: {  	v0 =	vadd.s32 v61, v0  }
0xd2: {  	v62 =	vld [tilespmem:$0x1260];
	[tilespmem:$0x12D0] =	vst v0  }
0xd3: {  	v0 =	vld [tilespmem:s20+$0x60];
	_ =	sdelay $0x4  }
0xd4: {  	v0 =	vadd.s32 v62, v0  }
0xd5: {  	v63 =	vld [tilespmem:$0x1270];
	[tilespmem:$0x12E0] =	vst v0  }
0xd6: {  	v0 =	vld [tilespmem:s20+$0x70];
	_ =	sdelay $0x4  }
0xd7: {  	v0 =	vadd.s32 v63, v0  }
0xd8: {  	[tilespmem:$0x12F0] =	vst v0  }
0xd9: {  	_ =	swait.ge [sflag:s19], $0x80  }
0xda: {  	[sflag:s19] =	ssyncset.done $0x0  }
0xdb: {  	[sflag:s19] =	ssyncadd.s32 $0xFFFFFF80  }
0xdc: {  	[spmem:s10] =	stream.indirect.scatter.add.f32 [tilespmem:s14], [sflag:$0x6], $0x1, s23, s30, $0xb8;
	[tilespmem:$0x14740] =	vst v63  }
0xdd: {  	s26 =	simm.s32 $0x200;
	_ =	swait.ge [sflag:s28], $0x80  }
.LBB2_6:
0xde: {  	p3 =	sne.s32 s26, $0x1E00  }
0xdf: {  	[sflag:s28] =	ssyncset.done $0x0;
	s20 =	smov.u32 s26;
	s26 =	sadd.s32 $0x200, s26  }
0xe0: {  	s20 =	sshra.s32 s20, $0x2;
	[sflag:s28] =	ssyncadd.s32 $0xFFFFFF80  }
0xe1: {  	[tilespmem:s31], [sflag:$0x1] =	stream.indirect.gather [spmem:s1], $0x1, s20, s30, $0xb8;
	[tilespmem:$0x14740] =	vst v63  }
0xe2: {  	_ = 	snop  }
0xe3: {  	[tilespmem:s9], [sflag:$0x2] =	stream.indirect.gather [spmem:s2], $0x1, s20, s30, $0xb8;
	[tilespmem:$0x14740] =	vst v63  }
0xe4: {  	_ = 	snop  }
0xe5: {  	[tilespmem:s0], [sflag:$0x3] =	stream.indirect.gather [spmem:s3], $0x1, s20, s30, $0xb8;
	[tilespmem:$0x14740] =	vst v63  }
0xe6: {  	s11 =	sadd.s32 $0x800, s20  }
0xe7: {  	[tilespmem:s14], [sflag:$0x4] =	stream.indirect.gather [spmem:s4], $0x1, s11, s30, $0xb8;
	[tilespmem:$0x14740] =	vst v63  }
0xe8: {  	_ = 	snop  }
0xe9: {  	[tilespmem:s15], [sflag:$0x5] =	stream.indirect.gather [spmem:s5], $0x1, s11, s30, $0xb8;
	[tilespmem:$0x14740] =	vst v63  }
0xea: {  	_ =	swait.ge [sflag:s16], $0x80  }
0xeb: {  	[sflag:s16] =	ssyncset.done $0x0  }
0xec: {  	[sflag:s16] =	ssyncadd.s32 $0xFFFFFF80  }
0xed: {  	[spmem:s6] =	stream.indirect.scatter.add.f32 [tilespmem:s31], [sflag:$0x6], $0x1, s11, s30, $0xb8;
	[tilespmem:$0x14740] =	vst v63  }
0xee: {  	_ =	swait.ge [sflag:s28], $0x80  }
0xef: {  	[sflag:s28] =	ssyncset.done $0x0  }
0xf0: {  	[sflag:s28] =	ssyncadd.s32 $0xFFFFFF80  }
0xf1: {  	_ =	swait.ge [sflag:s17], $0x80  }
0xf2: {  	[sflag:s17] =	ssyncset.done $0x0  }
0xf3: {  	[sflag:s17] =	ssyncadd.s32 $0xFFFFFF80  }
0xf4: {  	[spmem:s7] =	stream.indirect.scatter.add.f32 [tilespmem:s9], [sflag:$0x6], $0x1, s11, s30, $0xb8;
	[tilespmem:$0x14740] =	vst v63  }
0xf5: {  	_ =	swait.ge [sflag:s28], $0x80  }
0xf6: {  	[sflag:s28] =	ssyncset.done $0x0  }
0xf7: {  	[sflag:s28] =	ssyncadd.s32 $0xFFFFFF80  }
0xf8: {  	_ =	swait.ge [sflag:s18], $0x80  }
0xf9: {  	[sflag:s18] =	ssyncset.done $0x0  }
0xfa: {  	[sflag:s18] =	ssyncadd.s32 $0xFFFFFF80  }
0xfb: {  	[spmem:s8] =	stream.indirect.scatter.add.f32 [tilespmem:s0], [sflag:$0x6], $0x1, s11, s30, $0xb8;
	[tilespmem:$0x14740] =	vst v63  }
0xfc: {  	_ =	swait.ge [sflag:s28], $0x80  }
0xfd: {  	[sflag:s28] =	ssyncset.done $0x0  }
0xfe: {  	[sflag:s28] =	ssyncadd.s32 $0xFFFFFF80  }
0xff: {  	_ =	swait.ge [sflag:s21], $0x80  }
0x100: {  	[sflag:s21] =	ssyncset.done $0x0  }
0x101: {  	[sflag:s21] =	ssyncadd.s32 $0xFFFFFF80  }
0x102: {  	v0 =	vld [tilespmem:$0x1200]  }
0x103: {  	v1 =	vld [tilespmem:s20+$0x0]  }
0x104: {  	v2 =	vld [tilespmem:$0x1210]  }
0x105: {  	v3 =	vld [tilespmem:$0x1220]  }
0x106: {  	v4 =	vld [tilespmem:$0x1230]  }
0x107: {  	v5 =	vld [tilespmem:$0x1240]  }
0x108: {  	v0 =	vadd.s32 v0, v1;
	v1 =	vld [tilespmem:$0x1250]  }
0x109: {  	[tilespmem:$0x1280] =	vst v0;
	v0 =	vld [tilespmem:$0x1260]  }
0x10a: {  	v6 =	vld [tilespmem:s20+$0x10]  }
0x10b: {  	v7 =	vld [tilespmem:$0x1270];
	_ =	sdelay $0x3  }
0x10c: {  	v2 =	vadd.s32 v2, v6  }
0x10d: {  	[tilespmem:$0x1290] =	vst v2  }
0x10e: {  	v2 =	vld [tilespmem:s20+$0x20];
	_ =	sdelay $0x4  }
0x10f: {  	v2 =	vadd.s32 v3, v2  }
0x110: {  	[tilespmem:$0x12A0] =	vst v2  }
0x111: {  	v2 =	vld [tilespmem:s20+$0x30];
	_ =	sdelay $0x4  }
0x112: {  	v2 =	vadd.s32 v4, v2  }
0x113: {  	[tilespmem:$0x12B0] =	vst v2  }
0x114: {  	v2 =	vld [tilespmem:s20+$0x40];
	_ =	sdelay $0x4  }
0x115: {  	v2 =	vadd.s32 v5, v2  }
0x116: {  	[tilespmem:$0x12C0] =	vst v2  }
0x117: {  	v2 =	vld [tilespmem:s20+$0x50];
	_ =	sdelay $0x4  }
0x118: {  	v1 =	vadd.s32 v1, v2  }
0x119: {  	[tilespmem:$0x12D0] =	vst v1  }
0x11a: {  	v1 =	vld [tilespmem:s20+$0x60];
	_ =	sdelay $0x4  }
0x11b: {  	v0 =	vadd.s32 v0, v1  }
0x11c: {  	[tilespmem:$0x12E0] =	vst v0  }
0x11d: {  	v0 =	vld [tilespmem:s20+$0x70];
	_ =	sdelay $0x4  }
0x11e: {  	v0 =	vadd.s32 v7, v0  }
0x11f: {  	[tilespmem:$0x12F0] =	vst v0  }
.Ltmp2:
0x120: {  	_ =	swait.ge [sflag:s19], $0x80;
	(pc) =	sbr.rel @p3 .LBB2_6-.Ltmp2, $4  }
0x121: {  	[sflag:s19] =	ssyncset.done $0x0  }
0x122: {  	[sflag:s19] =	ssyncadd.s32 $0xFFFFFF80  }
0x123: {  	[spmem:s10] =	stream.indirect.scatter.add.f32 [tilespmem:s14], [sflag:$0x6], $0x1, s23, s30, $0xb8;
	[tilespmem:$0x14740] =	vst v63  }
0x124: {  	_ =	swait.ge [sflag:s28], $0x80  }
0x125: {  	s25 =	sadd.s32 $0x1, s25  }
0x126: {  	p3 =	sne.s32 s25, $0x19  }
.Ltmp3:
0x127: {  	_ = 	snop;
	(pc) =	sbr.rel @p3 .LBB2_5-.Ltmp3, $3  }
0x128: {  	_ =	sdelay $0x1  }
0x129: {  	[sflag:s28] =	ssyncset.done $0x0  }
0x12a: {  	[sflag:s28] =	ssyncadd.s32 $0xFFFFFF80  }
0x12b: {  	[bflag:$0x0] =	sbarrier.arrive $0xFFFF  }
0x12c: {  	s11 =	sshrl.u32 @!p4 s8, $0x3;
	s20 =	simm.s32 @!p4 $0x1EC6;
	s24 =	rddreg [dreg:$0x15]  }
0x12d: {  	[hbm:s24], [sflag:s20] =	dma.local @!p4 [spmem:s11], $0x1900  }
0x12e: {  	s11 =	simm.s32 @!p4 $0x6  }
0x12f: {  	_ =	swait.ge @!p4 [sflag:s11], $0x1900  }
0x130: {  	s20 =	simm.s32 @!p5 $0x1F06;
	[sflag:s11] =	ssyncset.done @!p4 $0x0  }
0x131: {  	s24 =	rddreg [dreg:$0x14];
	[sflag:s11] =	ssyncadd.s32 @!p4 $0xFFFFE700;
	s11 =	sshrl.u32 @!p5 s10, $0x3  }
0x132: {  	[hbm:s24], [sflag:s20] =	dma.local @!p5 [spmem:s11], $0x1A080  }
0x133: {  	s11 =	simm.s32 @!p5 $0x6  }
0x134: {  	_ =	swait.ge @!p5 [sflag:s11], $0x1A080  }
0x135: {  	s20 =	simm.s32 @!p6 $0x1E46;
	[sflag:s11] =	ssyncset.done @!p5 $0x0  }
0x136: {  	s24 =	rddreg [dreg:$0x11];
	[sflag:s11] =	ssyncadd.s32 @!p5 $0xFFFE5F80;
	s11 =	sshrl.u32 @!p6 s6, $0x3  }
0x137: {  	[hbm:s24], [sflag:s20] =	dma.local @!p6 [spmem:s11], $0x1900  }
0x138: {  	s11 =	simm.s32 @!p6 $0x6  }
0x139: {  	_ =	swait.ge @!p6 [sflag:s11], $0x1900  }
0x13a: {  	s20 =	simm.s32 @!p0 $0x1E86;
	[sflag:s11] =	ssyncset.done @!p6 $0x0  }
0x13b: {  	s24 =	rddreg [dreg:$0x16];
	[sflag:s11] =	ssyncadd.s32 @!p6 $0xFFFFE700;
	s11 =	sshrl.u32 @!p0 s7, $0x3  }
0x13c: {  	[hbm:s24], [sflag:s20] =	dma.local @!p0 [spmem:s11], $0x1900  }
0x13d: {  	s11 =	simm.s32 @!p0 $0x6  }
0x13e: {  	_ =	swait.ge @!p0 [sflag:s11], $0x1900  }
0x13f: {  	s25 =	rddreg [dreg:$0xb]  }
0x140: {  	s26 =	rddreg [dreg:$0x17];
	s20 =	sadd.s32 $0x1, s25  }
0x141: {  	p3 =	sne.s32 s20, s26  }
.Ltmp4:
0x142: {  	_ = 	snop;
	(pc) =	sbr.rel @p3 .LBB2_1-.Ltmp4, $3  }
0x143: {  	_ =	sdelay $0x1  }
0x144: {  	[sflag:s11] =	ssyncset.done @!p0 $0x0  }
0x145: {  	[sflag:s11] =	ssyncadd.s32 @!p0 $0xFFFFE700  }
0x146: {  	_ =	sfence.sel $0x180000  }
0x147: {  	[bflag:$0x0] =	sbarrier.arrive $0xFFFF  }
0x148: {  	_ =	strace $0x9000004A  }
0x149: {  	s0 =	stileid.u32;
	[bflag:$0x2] =	sbarrier.arrive $0xFFFF  }
0x14a: {  	p0 =	sne.s32 s0, $0x0;
	s0 =	rddreg [dreg:$0xa]  }
0x14b: {  	s0 =	sadd.s32 @!p0 $0x100000, s0  }
0x14c: {  	[sflag:s0] =	ssyncadd.tile.s32 @!p0 $0x1;
	_ =	shalt  }
.Lfunc_end2:
_tile_overlayer_lowered:
.L_overlay_start_2:
0x14d: {  	(tag) =	ssettag $0x2  }
0x14e: {  	s0 =	rddreg [dreg:$0x0];
	s2 =	stileid.u32  }
0x14f: {  	s1 =	rddreg [dreg:$0x1];
	p0 =	sne.s32 s2, $0x0  }
0x150: {  	s3 =	rddreg [dreg:$0x2];
	[bflag:$0x3] =	sbarrier.arrive $0xFFFF;
	s2 =	simm.s32 @!p0 $0x1C06  }
0x151: {  	[timem:s3], [sflag:s2] =	dma.local @!p0 [hbm:s0], s1  }
0x152: {  	s0 =	simm.s32 @!p0 $0x6  }
0x153: {  	_ =	swait.ge @!p0 [sflag:s0], s1  }
0x154: {  	s1 =	ssub.s32 @!p0 $0x0, s1;
	[sflag:s0] =	ssyncset.done @!p0 $0x0  }
0x155: {  	[sflag:s0] =	ssyncadd.s32 @!p0 s1  }
0x156: {  	[bflag:$0x3] =	sbarrier.arrive $0xFFFF  }
0x157: {  	_ =	shalt  }

</sc_bundles>
